<compile_context>
chip_gen: v7x
topology: tpu7x:2x2x1
jax: 0.10.2.dev20260603
libtpu: 0.0.44.dev20260713+nightly
codegen_flags: <defaults>
</compile_context>

<pallas_src>
import jax
import jax.numpy as jnp
from jax import lax
from jax.experimental import pallas as pl
from jax.experimental.pallas import tpu as pltpu
from jax.experimental.pallas import tpu_sc as plsc

B = 16384
F = 32
H = 64
LAMBDA = 0.001

_NC = 2
_NS = 16
_NW = _NC * _NS
_CHUNK = 128
_ROWS = B // _CHUNK
_CPW = _ROWS // _NW

_BLK = 2048
_GRID = B // _BLK


def _sc_gather_body(u_idx_hbm, i_idx_hbm, eu_hbm, ei_hbm, ubt_hbm, ibt_hbm,
                    u_out, i_out, ub_out, ib_out,
                    uidx_v, iidx_v, urows_v, irows_v, ubv, ibv, sem):
    wid = lax.axis_index("s") * _NC + lax.axis_index("c")
    base = wid * _CPW
    pltpu.sync_copy(u_idx_hbm.at[pl.ds(base, _CPW)], uidx_v)
    pltpu.sync_copy(i_idx_hbm.at[pl.ds(base, _CPW)], iidx_v)
    copies = []
    for j in range(_CPW):
        copies.append(pltpu.async_copy(eu_hbm.at[uidx_v.at[j]], urows_v.at[j], sem))
        copies.append(pltpu.async_copy(ei_hbm.at[iidx_v.at[j]], irows_v.at[j], sem))
        copies.append(pltpu.async_copy(ubt_hbm.at[uidx_v.at[j]], ubv.at[j], sem))
        copies.append(pltpu.async_copy(ibt_hbm.at[iidx_v.at[j]], ibv.at[j], sem))
    for c in copies:
        c.wait()
    pltpu.sync_copy(urows_v, u_out.at[pl.ds(base, _CPW)])
    pltpu.sync_copy(irows_v, i_out.at[pl.ds(base, _CPW)])
    pltpu.sync_copy(ubv, ub_out.at[pl.ds(base, _CPW)])
    pltpu.sync_copy(ibv, ib_out.at[pl.ds(base, _CPW)])


_sc_gather = pl.kernel(
    _sc_gather_body,
    out_type=[
        jax.ShapeDtypeStruct((_ROWS, _CHUNK, F), jnp.float32),
        jax.ShapeDtypeStruct((_ROWS, _CHUNK, F), jnp.float32),
        jax.ShapeDtypeStruct((_ROWS, _CHUNK), jnp.float32),
        jax.ShapeDtypeStruct((_ROWS, _CHUNK), jnp.float32),
    ],
    mesh=plsc.VectorSubcoreMesh(core_axis_name="c", subcore_axis_name="s"),
    scratch_types=[
        pltpu.VMEM((_CPW, _CHUNK), jnp.int32),
        pltpu.VMEM((_CPW, _CHUNK), jnp.int32),
        pltpu.VMEM((_CPW, _CHUNK, F), jnp.float32),
        pltpu.VMEM((_CPW, _CHUNK, F), jnp.float32),
        pltpu.VMEM((_CPW, _CHUNK), jnp.float32),
        pltpu.VMEM((_CPW, _CHUNK), jnp.float32),
        pltpu.SemaphoreType.DMA,
    ],
    compiler_params=pltpu.CompilerParams(use_tc_tiling_on_sc=False),
)


def _leaky(x):
    return jnp.where(x >= 0, x, 0.1 * x)


def _dense_body(avg_ref, u_ref, i_ref, ub_ref, ib_ref, r_ref,
                w1_ref, b1_ref, w2_ref, b2_ref,
                loss_ref, loss2_ref, acc_ref):
    g = pl.program_id(0)

    @pl.when(g == 0)
    def _init():
        acc_ref[0] = 0.0
        acc_ref[1] = 0.0
        acc_ref[2] = 0.0

    w1 = w1_ref[...]
    w2 = w2_ref[...]
    b1 = b1_ref[...]
    b2 = b2_ref[...]
    hu = _leaky(jnp.dot(u_ref[...], w1, preferred_element_type=jnp.float32) + b1)
    uo = _leaky(jnp.dot(hu, w2, preferred_element_type=jnp.float32) + b2)
    hi = _leaky(jnp.dot(i_ref[...], w1, preferred_element_type=jnp.float32) + b1)
    io = _leaky(jnp.dot(hi, w2, preferred_element_type=jnp.float32) + b2)
    pred = (jnp.sum(uo * io, axis=1, keepdims=True)
            + ub_ref[...] + ib_ref[...] + avg_ref[0])
    diff = pred - r_ref[...]
    acc_ref[0] += jnp.sum(diff * diff)
    acc_ref[1] += jnp.sum(uo * uo)
    acc_ref[2] += jnp.sum(io * io)

    @pl.when(g == pl.num_programs(0) - 1)
    def _fin():
        loss2 = acc_ref[0] / B
        l2 = LAMBDA * (acc_ref[1] + acc_ref[2]) / (B * F)
        loss2_ref[0, 0] = loss2
        loss_ref[0, 0] = loss2 + l2


def _dense(avg, u, it, ub, ib, r, w1, b1, w2, b2, interpret=False):
    return pl.pallas_call(
        _dense_body,
        grid=(_GRID,),
        in_specs=[
            pl.BlockSpec(memory_space=pltpu.SMEM),
            pl.BlockSpec((_BLK, F), lambda i: (i, 0)),
            pl.BlockSpec((_BLK, F), lambda i: (i, 0)),
            pl.BlockSpec((_BLK, 1), lambda i: (i, 0)),
            pl.BlockSpec((_BLK, 1), lambda i: (i, 0)),
            pl.BlockSpec((_BLK, 1), lambda i: (i, 0)),
            pl.BlockSpec((F, H), lambda i: (0, 0)),
            pl.BlockSpec((1, H), lambda i: (0, 0)),
            pl.BlockSpec((H, F), lambda i: (0, 0)),
            pl.BlockSpec((1, F), lambda i: (0, 0)),
        ],
        out_specs=[
            pl.BlockSpec(memory_space=pltpu.SMEM),
            pl.BlockSpec(memory_space=pltpu.SMEM),
        ],
        out_shape=[
            jax.ShapeDtypeStruct((1, 1), jnp.float32),
            jax.ShapeDtypeStruct((1, 1), jnp.float32),
        ],
        scratch_shapes=[pltpu.SMEM((3,), jnp.float32)],
        interpret=interpret,
    )(avg, u, it, ub, ib, r, w1, b1, w2, b2)


def kernel(user0, item_i0, ratings, embed_user, embed_item,
           user_bias_tab, item_bias_tab, W1, b1, W2, b2, avg_rating):
    u_idx = user0.astype(jnp.int32).reshape(_ROWS, _CHUNK)
    i_idx = item_i0.astype(jnp.int32).reshape(_ROWS, _CHUNK)
    u_g, i_g, ub_g, ib_g = _sc_gather(
        u_idx, i_idx, embed_user, embed_item,
        user_bias_tab.reshape(-1), item_bias_tab.reshape(-1))
    loss, loss2 = _dense(
        avg_rating,
        u_g.reshape(B, F), i_g.reshape(B, F),
        ub_g.reshape(B, 1), ib_g.reshape(B, 1),
        ratings.astype(jnp.float32).reshape(B, 1),
        W1, b1.reshape(1, H), W2, b2.reshape(1, F))
    return (loss[0, 0], loss2[0, 0], 0.0, 0.0)

# --- scband reference (transcript-rebuilt; emitter-appended) ---
"""Pipeline reference for scband-bpr-2-filter-bias-20727512170652 (READ-ONLY COPY).

The authoritative reference and input builder live on the scoring server;
editing this copy changes nothing except your own understanding.
"""

import jax, jax.numpy as jnp
import numpy as np

USER_NUM = 359347
ITEM_NUM = 292589
FACTOR = 32
BATCH = 16384
LAMADA = 0.001


def setup_inputs(seed: int = 0) -> dict:
    key = jax.random.key(seed)
    ks = jax.random.split(key, 12)
    user0 = jax.random.randint(ks[0], (BATCH,), 0, USER_NUM, dtype=jnp.int64) if jax.config.jax_enable_x64 else jax.random.randint(ks[0], (BATCH,), 0, USER_NUM, dtype=jnp.int32)
    item_i0 = jax.random.randint(ks[1], (BATCH,), 0, ITEM_NUM, dtype=jnp.int32)
    ratings = jax.random.uniform(ks[2], (BATCH,), dtype=jnp.float32) * 5.0
    embed_user = jax.random.normal(ks[3], (USER_NUM, FACTOR), dtype=jnp.float32) * 0.01
    embed_item = jax.random.normal(ks[4], (ITEM_NUM, FACTOR), dtype=jnp.float32) * 0.01
    user_bias_tab = jax.random.normal(ks[5], (USER_NUM, 1), dtype=jnp.float32) * 0.01
    item_bias_tab = jax.random.normal(ks[6], (ITEM_NUM, 1), dtype=jnp.float32) * 0.01
    # user_filter MLP: Linear(32 -> 64), LeakyReLU(0.1), Linear(64 -> 32), LeakyReLU(0.1)
    lim1 = 1.0 / np.sqrt(FACTOR)
    lim2 = 1.0 / np.sqrt(2 * FACTOR)
    W1 = jax.random.uniform(ks[7], (FACTOR, 2 * FACTOR), dtype=jnp.float32, minval=-lim1, maxval=lim1)
    b1 = jax.random.uniform(ks[8], (2 * FACTOR,), dtype=jnp.float32, minval=-lim1, maxval=lim1)
    W2 = jax.random.uniform(ks[9], (2 * FACTOR, FACTOR), dtype=jnp.float32, minval=-lim2, maxval=lim2)
    b2 = jax.random.uniform(ks[10], (FACTOR,), dtype=jnp.float32, minval=-lim2, maxval=lim2)
    avg_rating = jnp.array([3.5], dtype=jnp.float32)
    return {
        'user0': user0, 'item_i0': item_i0, 'ratings': ratings,
        'embed_user': embed_user, 'embed_item': embed_item,
        'user_bias_tab': user_bias_tab, 'item_bias_tab': item_bias_tab,
        'W1': W1, 'b1': b1, 'W2': W2, 'b2': b2, 'avg_rating': avg_rating,
    }


def _user_filter(x, W1, b1, W2, b2):
    h = jax.nn.leaky_relu(x @ W1 + b1, negative_slope=0.1)
    return jax.nn.leaky_relu(h @ W2 + b2, negative_slope=0.1)


def reference(user0, item_i0, ratings, embed_user, embed_item, user_bias_tab, item_bias_tab, W1, b1, W2, b2, avg_rating):
    user_bias = jnp.take(user_bias_tab, user0, axis=0)   # [B, 1]
    item_bias = jnp.take(item_bias_tab, item_i0, axis=0)  # [B, 1]
    user = jnp.take(embed_user, user0, axis=0)            # [B, F]
    item_i = jnp.take(embed_item, item_i0, axis=0)        # [B, F]
    user = _user_filter(user, W1, b1, W2, b2)
    item_i = _user_filter(item_i, W1, b1, W2, b2)
    ratings = ratings.astype(jnp.float32)
    prediction_i = (user * item_i).sum(axis=-1) + user_bias[:, 0] + item_bias[:, 0] + avg_rating
    l2_regulization = LAMADA * jnp.mean(user ** 2) + LAMADA * jnp.mean(item_i ** 2)
    loss2 = jnp.mean((prediction_i - ratings) ** 2)
    loss = loss2 + l2_regulization
    return (loss, loss2, 0.0, 0.0)

if __name__ == "__main__":
    import jax
    _d = setup_inputs()
    print(jax.jit(kernel)(*tuple(_d.values())))

</pallas_src>

<mosaic_0001>
#map = affine_map<(d0, d1) -> (0, 0)>
#map1 = affine_map<(d0, d1) -> (0)>
#map2 = affine_map<(d0, d1) -> (0, 0, 0)>
module attributes {stable_mosaic.version = 14 : i64} {
  func.func @_sc_gather_body(%arg0: i32, %arg1: i32, %arg2: memref<128x128xi32, #tpu.memory_space<hbm>>, %arg3: memref<128x128xi32, #tpu.memory_space<hbm>>, %arg4: memref<359347x32xf32, #tpu.memory_space<hbm>>, %arg5: memref<292589x32xf32, #tpu.memory_space<hbm>>, %arg6: memref<359347xf32, #tpu.memory_space<hbm>>, %arg7: memref<292589xf32, #tpu.memory_space<hbm>>, %arg8: memref<128x128x32xf32, #tpu.memory_space<hbm>>, %arg9: memref<128x128x32xf32, #tpu.memory_space<hbm>>, %arg10: memref<128x128xf32, #tpu.memory_space<hbm>>, %arg11: memref<128x128xf32, #tpu.memory_space<hbm>>, %arg12: memref<4x128xi32, #tpu.memory_space<vmem>>, %arg13: memref<4x128xi32, #tpu.memory_space<vmem>>, %arg14: memref<4x128x32xf32, #tpu.memory_space<vmem>>, %arg15: memref<4x128x32xf32, #tpu.memory_space<vmem>>, %arg16: memref<4x128xf32, #tpu.memory_space<vmem>>, %arg17: memref<4x128xf32, #tpu.memory_space<vmem>>, %arg18: memref<!tpu.dma_semaphore, #tpu.memory_space<semaphore_mem>>) attributes {dimension_semantics = [#tpu.dimension_semantics<core_parallel>, #tpu.dimension_semantics<subcore_parallel>], iteration_bounds = array<i64: 2, 16>, scalar_prefetch = 0 : i64, scratch_operands = 7 : i64, tpu.core_type = #tpu.core_type<sc_vector_subcore>, window_params = [{transform_indices = #map}, {transform_indices = #map}, {transform_indices = #map}, {transform_indices = #map}, {transform_indices = #map1}, {transform_indices = #map1}, {transform_indices = #map2}, {transform_indices = #map2}, {transform_indices = #map}, {transform_indices = #map}]} {
    %mul3A = arith.constant 2 : i32
    %mul3A_0 = arith.muli %arg1, %mul3A : i32
    %add3A = arith.addi %mul3A_0, %arg0 : i32
    %mul3A_1 = arith.constant 4 : i32
    %mul3A_2 = arith.muli %add3A, %mul3A_1 : i32
    "tpu.region"() ({
      %run_scoped3A = tpu.sem_alloc : memref<!tpu.dma_semaphore, #tpu.memory_space<semaphore_mem>>
      %dma_start3A_353 = arith.constant 0 : i32
      %dma_start3A_354 = tpu.memref_slice %arg2[%mul3A_2, %dma_start3A_353] : memref<128x128xi32, #tpu.memory_space<hbm>> -> memref<4x128xi32, #tpu.memory_space<hbm>>
      %dma_start3A_355 = arith.constant 0 : i32
      %dma_start3A_356 = tpu.memref_slice %arg2[%mul3A_2, %dma_start3A_355] : memref<128x128xi32, #tpu.memory_space<hbm>> -> memref<4x128xi32, #tpu.memory_space<hbm>>
      tpu.enqueue_dma source(%dma_start3A_356 : memref<4x128xi32, #tpu.memory_space<hbm>>) target(%arg12 : memref<4x128xi32, #tpu.memory_space<vmem>>) target_semaphore(%run_scoped3A : memref<!tpu.dma_semaphore, #tpu.memory_space<semaphore_mem>>)
      %dma_wait3A_357 = arith.constant 0 : i32
      %dma_wait3A_358 = tpu.memref_slice %arg2[%mul3A_2, %dma_wait3A_357] : memref<128x128xi32, #tpu.memory_space<hbm>> -> memref<4x128xi32, #tpu.memory_space<hbm>>
      %dma_wait3A_359 = arith.constant 0 : i32
      %dma_wait3A_360 = tpu.memref_slice %arg2[%mul3A_2, %dma_wait3A_359] : memref<128x128xi32, #tpu.memory_space<hbm>> -> memref<4x128xi32, #tpu.memory_space<hbm>>
      tpu.wait_dma2 semaphore(%run_scoped3A : memref<!tpu.dma_semaphore, #tpu.memory_space<semaphore_mem>>) src(%dma_wait3A_360 : memref<4x128xi32, #tpu.memory_space<hbm>>) dst(%arg12 : memref<4x128xi32, #tpu.memory_space<vmem>>)
      tpu.yield
    }) : () -> ()
    "tpu.region"() ({
      %run_scoped3A = tpu.sem_alloc : memref<!tpu.dma_semaphore, #tpu.memory_space<semaphore_mem>>
      %dma_start3A_353 = arith.constant 0 : i32
      %dma_start3A_354 = tpu.memref_slice %arg3[%mul3A_2, %dma_start3A_353] : memref<128x128xi32, #tpu.memory_space<hbm>> -> memref<4x128xi32, #tpu.memory_space<hbm>>
      %dma_start3A_355 = arith.constant 0 : i32
      %dma_start3A_356 = tpu.memref_slice %arg3[%mul3A_2, %dma_start3A_355] : memref<128x128xi32, #tpu.memory_space<hbm>> -> memref<4x128xi32, #tpu.memory_space<hbm>>
      tpu.enqueue_dma source(%dma_start3A_356 : memref<4x128xi32, #tpu.memory_space<hbm>>) target(%arg13 : memref<4x128xi32, #tpu.memory_space<vmem>>) target_semaphore(%run_scoped3A : memref<!tpu.dma_semaphore, #tpu.memory_space<semaphore_mem>>)
      %dma_wait3A_357 = arith.constant 0 : i32
      %dma_wait3A_358 = tpu.memref_slice %arg3[%mul3A_2, %dma_wait3A_357] : memref<128x128xi32, #tpu.memory_space<hbm>> -> memref<4x128xi32, #tpu.memory_space<hbm>>
      %dma_wait3A_359 = arith.constant 0 : i32
      %dma_wait3A_360 = tpu.memref_slice %arg3[%mul3A_2, %dma_wait3A_359] : memref<128x128xi32, #tpu.memory_space<hbm>> -> memref<4x128xi32, #tpu.memory_space<hbm>>
      tpu.wait_dma2 semaphore(%run_scoped3A : memref<!tpu.dma_semaphore, #tpu.memory_space<semaphore_mem>>) src(%dma_wait3A_360 : memref<4x128xi32, #tpu.memory_space<hbm>>) dst(%arg13 : memref<4x128xi32, #tpu.memory_space<vmem>>)
      tpu.yield
    }) : () -> ()
    %dma_start3A = arith.constant 0 : i32
    %dma_start3A_3 = arith.constant 0 : i32
    %dma_start3A_4 = arith.constant 0 : i32
    %dma_start3A_5 = arith.constant 0 : i32
    %dma_start3A_6 = tpu.memref_slice %arg14[%dma_start3A_3, %dma_start3A_4, %dma_start3A_5] : memref<4x128x32xf32, #tpu.memory_space<vmem>> -> memref<1x128x32xf32, #tpu.memory_space<vmem>>
    %dma_start3A_7 = tpu.memref_squeeze %dma_start3A_6 : memref<1x128x32xf32, #tpu.memory_space<vmem>> -> memref<128x32xf32, #tpu.memory_space<vmem>>
    %dma_start3A_8 = arith.constant 0 : i32
    %dma_start3A_9 = tpu.memref_slice %arg12[%dma_start3A, %dma_start3A_8] : memref<4x128xi32, #tpu.memory_space<vmem>> -> memref<1x128xi32, #tpu.memory_space<vmem>>
    %dma_start3A_10 = tpu.memref_squeeze %dma_start3A_9 : memref<1x128xi32, #tpu.memory_space<vmem>> -> memref<128xi32, #tpu.memory_space<vmem>>
    %dma_start3A_11 = arith.constant 0 : i32
    %dma_start3A_12 = arith.constant 0 : i32
    %dma_start3A_13 = tpu.memref_slice %arg4[%dma_start3A_11, %dma_start3A_12] : memref<359347x32xf32, #tpu.memory_space<hbm>> -> memref<359347x32xf32, #tpu.memory_space<hbm>>
    tpu.enqueue_indirect_dma source(%dma_start3A_13 : memref<359347x32xf32, #tpu.memory_space<hbm>>) target(%dma_start3A_7 : memref<128x32xf32, #tpu.memory_space<vmem>>) offsets(%dma_start3A_10 : memref<128xi32, #tpu.memory_space<vmem>>) semaphore(%arg18 : memref<!tpu.dma_semaphore, #tpu.memory_space<semaphore_mem>>)
    %dma_start3A_14 = arith.constant 0 : i32
    %dma_start3A_15 = arith.constant 0 : i32
    %dma_start3A_16 = arith.constant 0 : i32
    %dma_start3A_17 = arith.constant 0 : i32
    %dma_start3A_18 = tpu.memref_slice %arg15[%dma_start3A_15, %dma_start3A_16, %dma_start3A_17] : memref<4x128x32xf32, #tpu.memory_space<vmem>> -> memref<1x128x32xf32, #tpu.memory_space<vmem>>
    %dma_start3A_19 = tpu.memref_squeeze %dma_start3A_18 : memref<1x128x32xf32, #tpu.memory_space<vmem>> -> memref<128x32xf32, #tpu.memory_space<vmem>>
    %dma_start3A_20 = arith.constant 0 : i32
    %dma_start3A_21 = tpu.memref_slice %arg13[%dma_start3A_14, %dma_start3A_20] : memref<4x128xi32, #tpu.memory_space<vmem>> -> memref<1x128xi32, #tpu.memory_space<vmem>>
    %dma_start3A_22 = tpu.memref_squeeze %dma_start3A_21 : memref<1x128xi32, #tpu.memory_space<vmem>> -> memref<128xi32, #tpu.memory_space<vmem>>
    %dma_start3A_23 = arith.constant 0 : i32
    %dma_start3A_24 = arith.constant 0 : i32
    %dma_start3A_25 = tpu.memref_slice %arg5[%dma_start3A_23, %dma_start3A_24] : memref<292589x32xf32, #tpu.memory_space<hbm>> -> memref<292589x32xf32, #tpu.memory_space<hbm>>
    tpu.enqueue_indirect_dma source(%dma_start3A_25 : memref<292589x32xf32, #tpu.memory_space<hbm>>) target(%dma_start3A_19 : memref<128x32xf32, #tpu.memory_space<vmem>>) offsets(%dma_start3A_22 : memref<128xi32, #tpu.memory_space<vmem>>) semaphore(%arg18 : memref<!tpu.dma_semaphore, #tpu.memory_space<semaphore_mem>>)
    %dma_start3A_26 = arith.constant 0 : i32
    %dma_start3A_27 = arith.constant 0 : i32
    %dma_start3A_28 = arith.constant 0 : i32
    %dma_start3A_29 = tpu.memref_slice %arg16[%dma_start3A_27, %dma_start3A_28] : memref<4x128xf32, #tpu.memory_space<vmem>> -> memref<1x128xf32, #tpu.memory_space<vmem>>
    %dma_start3A_30 = tpu.memref_squeeze %dma_start3A_29 : memref<1x128xf32, #tpu.memory_space<vmem>> -> memref<128xf32, #tpu.memory_space<vmem>>
    %dma_start3A_31 = arith.constant 0 : i32
    %dma_start3A_32 = tpu.memref_slice %arg12[%dma_start3A_26, %dma_start3A_31] : memref<4x128xi32, #tpu.memory_space<vmem>> -> memref<1x128xi32, #tpu.memory_space<vmem>>
    %dma_start3A_33 = tpu.memref_squeeze %dma_start3A_32 : memref<1x128xi32, #tpu.memory_space<vmem>> -> memref<128xi32, #tpu.memory_space<vmem>>
    %dma_start3A_34 = arith.constant 0 : i32
    %dma_start3A_35 = tpu.memref_slice %arg6[%dma_start3A_34] : memref<359347xf32, #tpu.memory_space<hbm>> -> memref<359347xf32, #tpu.memory_space<hbm>>
    tpu.enqueue_indirect_dma source(%dma_start3A_35 : memref<359347xf32, #tpu.memory_space<hbm>>) target(%dma_start3A_30 : memref<128xf32, #tpu.memory_space<vmem>>) offsets(%dma_start3A_33 : memref<128xi32, #tpu.memory_space<vmem>>) semaphore(%arg18 : memref<!tpu.dma_semaphore, #tpu.memory_space<semaphore_mem>>)
    %dma_start3A_36 = arith.constant 0 : i32
    %dma_start3A_37 = arith.constant 0 : i32
    %dma_start3A_38 = arith.constant 0 : i32
    %dma_start3A_39 = tpu.memref_slice %arg17[%dma_start3A_37, %dma_start3A_38] : memref<4x128xf32, #tpu.memory_space<vmem>> -> memref<1x128xf32, #tpu.memory_space<vmem>>
    %dma_start3A_40 = tpu.memref_squeeze %dma_start3A_39 : memref<1x128xf32, #tpu.memory_space<vmem>> -> memref<128xf32, #tpu.memory_space<vmem>>
    %dma_start3A_41 = arith.constant 0 : i32
    %dma_start3A_42 = tpu.memref_slice %arg13[%dma_start3A_36, %dma_start3A_41] : memref<4x128xi32, #tpu.memory_space<vmem>> -> memref<1x128xi32, #tpu.memory_space<vmem>>
    %dma_start3A_43 = tpu.memref_squeeze %dma_start3A_42 : memref<1x128xi32, #tpu.memory_space<vmem>> -> memref<128xi32, #tpu.memory_space<vmem>>
    %dma_start3A_44 = arith.constant 0 : i32
    %dma_start3A_45 = tpu.memref_slice %arg7[%dma_start3A_44] : memref<292589xf32, #tpu.memory_space<hbm>> -> memref<292589xf32, #tpu.memory_space<hbm>>
    tpu.enqueue_indirect_dma source(%dma_start3A_45 : memref<292589xf32, #tpu.memory_space<hbm>>) target(%dma_start3A_40 : memref<128xf32, #tpu.memory_space<vmem>>) offsets(%dma_start3A_43 : memref<128xi32, #tpu.memory_space<vmem>>) semaphore(%arg18 : memref<!tpu.dma_semaphore, #tpu.memory_space<semaphore_mem>>)
    %dma_start3A_46 = arith.constant 1 : i32
    %dma_start3A_47 = arith.constant 1 : i32
    %dma_start3A_48 = arith.constant 0 : i32
    %dma_start3A_49 = arith.constant 0 : i32
    %dma_start3A_50 = tpu.memref_slice %arg14[%dma_start3A_47, %dma_start3A_48, %dma_start3A_49] : memref<4x128x32xf32, #tpu.memory_space<vmem>> -> memref<1x128x32xf32, #tpu.memory_space<vmem>>
    %dma_start3A_51 = tpu.memref_squeeze %dma_start3A_50 : memref<1x128x32xf32, #tpu.memory_space<vmem>> -> memref<128x32xf32, #tpu.memory_space<vmem>>
    %dma_start3A_52 = arith.constant 0 : i32
    %dma_start3A_53 = tpu.memref_slice %arg12[%dma_start3A_46, %dma_start3A_52] : memref<4x128xi32, #tpu.memory_space<vmem>> -> memref<1x128xi32, #tpu.memory_space<vmem>>
    %dma_start3A_54 = tpu.memref_squeeze %dma_start3A_53 : memref<1x128xi32, #tpu.memory_space<vmem>> -> memref<128xi32, #tpu.memory_space<vmem>>
    %dma_start3A_55 = arith.constant 0 : i32
    %dma_start3A_56 = arith.constant 0 : i32
    %dma_start3A_57 = tpu.memref_slice %arg4[%dma_start3A_55, %dma_start3A_56] : memref<359347x32xf32, #tpu.memory_space<hbm>> -> memref<359347x32xf32, #tpu.memory_space<hbm>>
    tpu.enqueue_indirect_dma source(%dma_start3A_57 : memref<359347x32xf32, #tpu.memory_space<hbm>>) target(%dma_start3A_51 : memref<128x32xf32, #tpu.memory_space<vmem>>) offsets(%dma_start3A_54 : memref<128xi32, #tpu.memory_space<vmem>>) semaphore(%arg18 : memref<!tpu.dma_semaphore, #tpu.memory_space<semaphore_mem>>)
    %dma_start3A_58 = arith.constant 1 : i32
    %dma_start3A_59 = arith.constant 1 : i32
    %dma_start3A_60 = arith.constant 0 : i32
    %dma_start3A_61 = arith.constant 0 : i32
    %dma_start3A_62 = tpu.memref_slice %arg15[%dma_start3A_59, %dma_start3A_60, %dma_start3A_61] : memref<4x128x32xf32, #tpu.memory_space<vmem>> -> memref<1x128x32xf32, #tpu.memory_space<vmem>>
    %dma_start3A_63 = tpu.memref_squeeze %dma_start3A_62 : memref<1x128x32xf32, #tpu.memory_space<vmem>> -> memref<128x32xf32, #tpu.memory_space<vmem>>
    %dma_start3A_64 = arith.constant 0 : i32
    %dma_start3A_65 = tpu.memref_slice %arg13[%dma_start3A_58, %dma_start3A_64] : memref<4x128xi32, #tpu.memory_space<vmem>> -> memref<1x128xi32, #tpu.memory_space<vmem>>
    %dma_start3A_66 = tpu.memref_squeeze %dma_start3A_65 : memref<1x128xi32, #tpu.memory_space<vmem>> -> memref<128xi32, #tpu.memory_space<vmem>>
    %dma_start3A_67 = arith.constant 0 : i32
    %dma_start3A_68 = arith.constant 0 : i32
    %dma_start3A_69 = tpu.memref_slice %arg5[%dma_start3A_67, %dma_start3A_68] : memref<292589x32xf32, #tpu.memory_space<hbm>> -> memref<292589x32xf32, #tpu.memory_space<hbm>>
    tpu.enqueue_indirect_dma source(%dma_start3A_69 : memref<292589x32xf32, #tpu.memory_space<hbm>>) target(%dma_start3A_63 : memref<128x32xf32, #tpu.memory_space<vmem>>) offsets(%dma_start3A_66 : memref<128xi32, #tpu.memory_space<vmem>>) semaphore(%arg18 : memref<!tpu.dma_semaphore, #tpu.memory_space<semaphore_mem>>)
    %dma_start3A_70 = arith.constant 1 : i32
    %dma_start3A_71 = arith.constant 1 : i32
    %dma_start3A_72 = arith.constant 0 : i32
    %dma_start3A_73 = tpu.memref_slice %arg16[%dma_start3A_71, %dma_start3A_72] : memref<4x128xf32, #tpu.memory_space<vmem>> -> memref<1x128xf32, #tpu.memory_space<vmem>>
    %dma_start3A_74 = tpu.memref_squeeze %dma_start3A_73 : memref<1x128xf32, #tpu.memory_space<vmem>> -> memref<128xf32, #tpu.memory_space<vmem>>
    %dma_start3A_75 = arith.constant 0 : i32
    %dma_start3A_76 = tpu.memref_slice %arg12[%dma_start3A_70, %dma_start3A_75] : memref<4x128xi32, #tpu.memory_space<vmem>> -> memref<1x128xi32, #tpu.memory_space<vmem>>
    %dma_start3A_77 = tpu.memref_squeeze %dma_start3A_76 : memref<1x128xi32, #tpu.memory_space<vmem>> -> memref<128xi32, #tpu.memory_space<vmem>>
    %dma_start3A_78 = arith.constant 0 : i32
    %dma_start3A_79 = tpu.memref_slice %arg6[%dma_start3A_78] : memref<359347xf32, #tpu.memory_space<hbm>> -> memref<359347xf32, #tpu.memory_space<hbm>>
    tpu.enqueue_indirect_dma source(%dma_start3A_79 : memref<359347xf32, #tpu.memory_space<hbm>>) target(%dma_start3A_74 : memref<128xf32, #tpu.memory_space<vmem>>) offsets(%dma_start3A_77 : memref<128xi32, #tpu.memory_space<vmem>>) semaphore(%arg18 : memref<!tpu.dma_semaphore, #tpu.memory_space<semaphore_mem>>)
    %dma_start3A_80 = arith.constant 1 : i32
    %dma_start3A_81 = arith.constant 1 : i32
    %dma_start3A_82 = arith.constant 0 : i32
    %dma_start3A_83 = tpu.memref_slice %arg17[%dma_start3A_81, %dma_start3A_82] : memref<4x128xf32, #tpu.memory_space<vmem>> -> memref<1x128xf32, #tpu.memory_space<vmem>>
    %dma_start3A_84 = tpu.memref_squeeze %dma_start3A_83 : memref<1x128xf32, #tpu.memory_space<vmem>> -> memref<128xf32, #tpu.memory_space<vmem>>
    %dma_start3A_85 = arith.constant 0 : i32
    %dma_start3A_86 = tpu.memref_slice %arg13[%dma_start3A_80, %dma_start3A_85] : memref<4x128xi32, #tpu.memory_space<vmem>> -> memref<1x128xi32, #tpu.memory_space<vmem>>
    %dma_start3A_87 = tpu.memref_squeeze %dma_start3A_86 : memref<1x128xi32, #tpu.memory_space<vmem>> -> memref<128xi32, #tpu.memory_space<vmem>>
    %dma_start3A_88 = arith.constant 0 : i32
    %dma_start3A_89 = tpu.memref_slice %arg7[%dma_start3A_88] : memref<292589xf32, #tpu.memory_space<hbm>> -> memref<292589xf32, #tpu.memory_space<hbm>>
    tpu.enqueue_indirect_dma source(%dma_start3A_89 : memref<292589xf32, #tpu.memory_space<hbm>>) target(%dma_start3A_84 : memref<128xf32, #tpu.memory_space<vmem>>) offsets(%dma_start3A_87 : memref<128xi32, #tpu.memory_space<vmem>>) semaphore(%arg18 : memref<!tpu.dma_semaphore, #tpu.memory_space<semaphore_mem>>)
    %dma_start3A_90 = arith.constant 2 : i32
    %dma_start3A_91 = arith.constant 2 : i32
    %dma_start3A_92 = arith.constant 0 : i32
    %dma_start3A_93 = arith.constant 0 : i32
    %dma_start3A_94 = tpu.memref_slice %arg14[%dma_start3A_91, %dma_start3A_92, %dma_start3A_93] : memref<4x128x32xf32, #tpu.memory_space<vmem>> -> memref<1x128x32xf32, #tpu.memory_space<vmem>>
    %dma_start3A_95 = tpu.memref_squeeze %dma_start3A_94 : memref<1x128x32xf32, #tpu.memory_space<vmem>> -> memref<128x32xf32, #tpu.memory_space<vmem>>
    %dma_start3A_96 = arith.constant 0 : i32
    %dma_start3A_97 = tpu.memref_slice %arg12[%dma_start3A_90, %dma_start3A_96] : memref<4x128xi32, #tpu.memory_space<vmem>> -> memref<1x128xi32, #tpu.memory_space<vmem>>
    %dma_start3A_98 = tpu.memref_squeeze %dma_start3A_97 : memref<1x128xi32, #tpu.memory_space<vmem>> -> memref<128xi32, #tpu.memory_space<vmem>>
    %dma_start3A_99 = arith.constant 0 : i32
    %dma_start3A_100 = arith.constant 0 : i32
    %dma_start3A_101 = tpu.memref_slice %arg4[%dma_start3A_99, %dma_start3A_100] : memref<359347x32xf32, #tpu.memory_space<hbm>> -> memref<359347x32xf32, #tpu.memory_space<hbm>>
    tpu.enqueue_indirect_dma source(%dma_start3A_101 : memref<359347x32xf32, #tpu.memory_space<hbm>>) target(%dma_start3A_95 : memref<128x32xf32, #tpu.memory_space<vmem>>) offsets(%dma_start3A_98 : memref<128xi32, #tpu.memory_space<vmem>>) semaphore(%arg18 : memref<!tpu.dma_semaphore, #tpu.memory_space<semaphore_mem>>)
    %dma_start3A_102 = arith.constant 2 : i32
    %dma_start3A_103 = arith.constant 2 : i32
    %dma_start3A_104 = arith.constant 0 : i32
    %dma_start3A_105 = arith.constant 0 : i32
    %dma_start3A_106 = tpu.memref_slice %arg15[%dma_start3A_103, %dma_start3A_104, %dma_start3A_105] : memref<4x128x32xf32, #tpu.memory_space<vmem>> -> memref<1x128x32xf32, #tpu.memory_space<vmem>>
    %dma_start3A_107 = tpu.memref_squeeze %dma_start3A_106 : memref<1x128x32xf32, #tpu.memory_space<vmem>> -> memref<128x32xf32, #tpu.memory_space<vmem>>
    %dma_start3A_108 = arith.constant 0 : i32
    %dma_start3A_109 = tpu.memref_slice %arg13[%dma_start3A_102, %dma_start3A_108] : memref<4x128xi32, #tpu.memory_space<vmem>> -> memref<1x128xi32, #tpu.memory_space<vmem>>
    %dma_start3A_110 = tpu.memref_squeeze %dma_start3A_109 : memref<1x128xi32, #tpu.memory_space<vmem>> -> memref<128xi32, #tpu.memory_space<vmem>>
    %dma_start3A_111 = arith.constant 0 : i32
    %dma_start3A_112 = arith.constant 0 : i32
    %dma_start3A_113 = tpu.memref_slice %arg5[%dma_start3A_111, %dma_start3A_112] : memref<292589x32xf32, #tpu.memory_space<hbm>> -> memref<292589x32xf32, #tpu.memory_space<hbm>>
    tpu.enqueue_indirect_dma source(%dma_start3A_113 : memref<292589x32xf32, #tpu.memory_space<hbm>>) target(%dma_start3A_107 : memref<128x32xf32, #tpu.memory_space<vmem>>) offsets(%dma_start3A_110 : memref<128xi32, #tpu.memory_space<vmem>>) semaphore(%arg18 : memref<!tpu.dma_semaphore, #tpu.memory_space<semaphore_mem>>)
    %dma_start3A_114 = arith.constant 2 : i32
    %dma_start3A_115 = arith.constant 2 : i32
    %dma_start3A_116 = arith.constant 0 : i32
    %dma_start3A_117 = tpu.memref_slice %arg16[%dma_start3A_115, %dma_start3A_116] : memref<4x128xf32, #tpu.memory_space<vmem>> -> memref<1x128xf32, #tpu.memory_space<vmem>>
    %dma_start3A_118 = tpu.memref_squeeze %dma_start3A_117 : memref<1x128xf32, #tpu.memory_space<vmem>> -> memref<128xf32, #tpu.memory_space<vmem>>
    %dma_start3A_119 = arith.constant 0 : i32
    %dma_start3A_120 = tpu.memref_slice %arg12[%dma_start3A_114, %dma_start3A_119] : memref<4x128xi32, #tpu.memory_space<vmem>> -> memref<1x128xi32, #tpu.memory_space<vmem>>
    %dma_start3A_121 = tpu.memref_squeeze %dma_start3A_120 : memref<1x128xi32, #tpu.memory_space<vmem>> -> memref<128xi32, #tpu.memory_space<vmem>>
    %dma_start3A_122 = arith.constant 0 : i32
    %dma_start3A_123 = tpu.memref_slice %arg6[%dma_start3A_122] : memref<359347xf32, #tpu.memory_space<hbm>> -> memref<359347xf32, #tpu.memory_space<hbm>>
    tpu.enqueue_indirect_dma source(%dma_start3A_123 : memref<359347xf32, #tpu.memory_space<hbm>>) target(%dma_start3A_118 : memref<128xf32, #tpu.memory_space<vmem>>) offsets(%dma_start3A_121 : memref<128xi32, #tpu.memory_space<vmem>>) semaphore(%arg18 : memref<!tpu.dma_semaphore, #tpu.memory_space<semaphore_mem>>)
    %dma_start3A_124 = arith.constant 2 : i32
    %dma_start3A_125 = arith.constant 2 : i32
    %dma_start3A_126 = arith.constant 0 : i32
    %dma_start3A_127 = tpu.memref_slice %arg17[%dma_start3A_125, %dma_start3A_126] : memref<4x128xf32, #tpu.memory_space<vmem>> -> memref<1x128xf32, #tpu.memory_space<vmem>>
    %dma_start3A_128 = tpu.memref_squeeze %dma_start3A_127 : memref<1x128xf32, #tpu.memory_space<vmem>> -> memref<128xf32, #tpu.memory_space<vmem>>
    %dma_start3A_129 = arith.constant 0 : i32
    %dma_start3A_130 = tpu.memref_slice %arg13[%dma_start3A_124, %dma_start3A_129] : memref<4x128xi32, #tpu.memory_space<vmem>> -> memref<1x128xi32, #tpu.memory_space<vmem>>
    %dma_start3A_131 = tpu.memref_squeeze %dma_start3A_130 : memref<1x128xi32, #tpu.memory_space<vmem>> -> memref<128xi32, #tpu.memory_space<vmem>>
    %dma_start3A_132 = arith.constant 0 : i32
    %dma_start3A_133 = tpu.memref_slice %arg7[%dma_start3A_132] : memref<292589xf32, #tpu.memory_space<hbm>> -> memref<292589xf32, #tpu.memory_space<hbm>>
    tpu.enqueue_indirect_dma source(%dma_start3A_133 : memref<292589xf32, #tpu.memory_space<hbm>>) target(%dma_start3A_128 : memref<128xf32, #tpu.memory_space<vmem>>) offsets(%dma_start3A_131 : memref<128xi32, #tpu.memory_space<vmem>>) semaphore(%arg18 : memref<!tpu.dma_semaphore, #tpu.memory_space<semaphore_mem>>)
    %dma_start3A_134 = arith.constant 3 : i32
    %dma_start3A_135 = arith.constant 3 : i32
    %dma_start3A_136 = arith.constant 0 : i32
    %dma_start3A_137 = arith.constant 0 : i32
    %dma_start3A_138 = tpu.memref_slice %arg14[%dma_start3A_135, %dma_start3A_136, %dma_start3A_137] : memref<4x128x32xf32, #tpu.memory_space<vmem>> -> memref<1x128x32xf32, #tpu.memory_space<vmem>>
    %dma_start3A_139 = tpu.memref_squeeze %dma_start3A_138 : memref<1x128x32xf32, #tpu.memory_space<vmem>> -> memref<128x32xf32, #tpu.memory_space<vmem>>
    %dma_start3A_140 = arith.constant 0 : i32
    %dma_start3A_141 = tpu.memref_slice %arg12[%dma_start3A_134, %dma_start3A_140] : memref<4x128xi32, #tpu.memory_space<vmem>> -> memref<1x128xi32, #tpu.memory_space<vmem>>
    %dma_start3A_142 = tpu.memref_squeeze %dma_start3A_141 : memref<1x128xi32, #tpu.memory_space<vmem>> -> memref<128xi32, #tpu.memory_space<vmem>>
    %dma_start3A_143 = arith.constant 0 : i32
    %dma_start3A_144 = arith.constant 0 : i32
    %dma_start3A_145 = tpu.memref_slice %arg4[%dma_start3A_143, %dma_start3A_144] : memref<359347x32xf32, #tpu.memory_space<hbm>> -> memref<359347x32xf32, #tpu.memory_space<hbm>>
    tpu.enqueue_indirect_dma source(%dma_start3A_145 : memref<359347x32xf32, #tpu.memory_space<hbm>>) target(%dma_start3A_139 : memref<128x32xf32, #tpu.memory_space<vmem>>) offsets(%dma_start3A_142 : memref<128xi32, #tpu.memory_space<vmem>>) semaphore(%arg18 : memref<!tpu.dma_semaphore, #tpu.memory_space<semaphore_mem>>)
    %dma_start3A_146 = arith.constant 3 : i32
    %dma_start3A_147 = arith.constant 3 : i32
    %dma_start3A_148 = arith.constant 0 : i32
    %dma_start3A_149 = arith.constant 0 : i32
    %dma_start3A_150 = tpu.memref_slice %arg15[%dma_start3A_147, %dma_start3A_148, %dma_start3A_149] : memref<4x128x32xf32, #tpu.memory_space<vmem>> -> memref<1x128x32xf32, #tpu.memory_space<vmem>>
    %dma_start3A_151 = tpu.memref_squeeze %dma_start3A_150 : memref<1x128x32xf32, #tpu.memory_space<vmem>> -> memref<128x32xf32, #tpu.memory_space<vmem>>
    %dma_start3A_152 = arith.constant 0 : i32
    %dma_start3A_153 = tpu.memref_slice %arg13[%dma_start3A_146, %dma_start3A_152] : memref<4x128xi32, #tpu.memory_space<vmem>> -> memref<1x128xi32, #tpu.memory_space<vmem>>
    %dma_start3A_154 = tpu.memref_squeeze %dma_start3A_153 : memref<1x128xi32, #tpu.memory_space<vmem>> -> memref<128xi32, #tpu.memory_space<vmem>>
    %dma_start3A_155 = arith.constant 0 : i32
    %dma_start3A_156 = arith.constant 0 : i32
    %dma_start3A_157 = tpu.memref_slice %arg5[%dma_start3A_155, %dma_start3A_156] : memref<292589x32xf32, #tpu.memory_space<hbm>> -> memref<292589x32xf32, #tpu.memory_space<hbm>>
    tpu.enqueue_indirect_dma source(%dma_start3A_157 : memref<292589x32xf32, #tpu.memory_space<hbm>>) target(%dma_start3A_151 : memref<128x32xf32, #tpu.memory_space<vmem>>) offsets(%dma_start3A_154 : memref<128xi32, #tpu.memory_space<vmem>>) semaphore(%arg18 : memref<!tpu.dma_semaphore, #tpu.memory_space<semaphore_mem>>)
    %dma_start3A_158 = arith.constant 3 : i32
    %dma_start3A_159 = arith.constant 3 : i32
    %dma_start3A_160 = arith.constant 0 : i32
    %dma_start3A_161 = tpu.memref_slice %arg16[%dma_start3A_159, %dma_start3A_160] : memref<4x128xf32, #tpu.memory_space<vmem>> -> memref<1x128xf32, #tpu.memory_space<vmem>>
    %dma_start3A_162 = tpu.memref_squeeze %dma_start3A_161 : memref<1x128xf32, #tpu.memory_space<vmem>> -> memref<128xf32, #tpu.memory_space<vmem>>
    %dma_start3A_163 = arith.constant 0 : i32
    %dma_start3A_164 = tpu.memref_slice %arg12[%dma_start3A_158, %dma_start3A_163] : memref<4x128xi32, #tpu.memory_space<vmem>> -> memref<1x128xi32, #tpu.memory_space<vmem>>
    %dma_start3A_165 = tpu.memref_squeeze %dma_start3A_164 : memref<1x128xi32, #tpu.memory_space<vmem>> -> memref<128xi32, #tpu.memory_space<vmem>>
    %dma_start3A_166 = arith.constant 0 : i32
    %dma_start3A_167 = tpu.memref_slice %arg6[%dma_start3A_166] : memref<359347xf32, #tpu.memory_space<hbm>> -> memref<359347xf32, #tpu.memory_space<hbm>>
    tpu.enqueue_indirect_dma source(%dma_start3A_167 : memref<359347xf32, #tpu.memory_space<hbm>>) target(%dma_start3A_162 : memref<128xf32, #tpu.memory_space<vmem>>) offsets(%dma_start3A_165 : memref<128xi32, #tpu.memory_space<vmem>>) semaphore(%arg18 : memref<!tpu.dma_semaphore, #tpu.memory_space<semaphore_mem>>)
    %dma_start3A_168 = arith.constant 3 : i32
    %dma_start3A_169 = arith.constant 3 : i32
    %dma_start3A_170 = arith.constant 0 : i32
    %dma_start3A_171 = tpu.memref_slice %arg17[%dma_start3A_169, %dma_start3A_170] : memref<4x128xf32, #tpu.memory_space<vmem>> -> memref<1x128xf32, #tpu.memory_space<vmem>>
    %dma_start3A_172 = tpu.memref_squeeze %dma_start3A_171 : memref<1x128xf32, #tpu.memory_space<vmem>> -> memref<128xf32, #tpu.memory_space<vmem>>
    %dma_start3A_173 = arith.constant 0 : i32
    %dma_start3A_174 = tpu.memref_slice %arg13[%dma_start3A_168, %dma_start3A_173] : memref<4x128xi32, #tpu.memory_space<vmem>> -> memref<1x128xi32, #tpu.memory_space<vmem>>
    %dma_start3A_175 = tpu.memref_squeeze %dma_start3A_174 : memref<1x128xi32, #tpu.memory_space<vmem>> -> memref<128xi32, #tpu.memory_space<vmem>>
    %dma_start3A_176 = arith.constant 0 : i32
    %dma_start3A_177 = tpu.memref_slice %arg7[%dma_start3A_176] : memref<292589xf32, #tpu.memory_space<hbm>> -> memref<292589xf32, #tpu.memory_space<hbm>>
    tpu.enqueue_indirect_dma source(%dma_start3A_177 : memref<292589xf32, #tpu.memory_space<hbm>>) target(%dma_start3A_172 : memref<128xf32, #tpu.memory_space<vmem>>) offsets(%dma_start3A_175 : memref<128xi32, #tpu.memory_space<vmem>>) semaphore(%arg18 : memref<!tpu.dma_semaphore, #tpu.memory_space<semaphore_mem>>)
    %dma_wait3A = arith.constant 0 : i32
    %dma_wait3A_178 = arith.constant 0 : i32
    %dma_wait3A_179 = arith.constant 0 : i32
    %dma_wait3A_180 = arith.constant 0 : i32
    %dma_wait3A_181 = tpu.memref_slice %arg14[%dma_wait3A_178, %dma_wait3A_179, %dma_wait3A_180] : memref<4x128x32xf32, #tpu.memory_space<vmem>> -> memref<1x128x32xf32, #tpu.memory_space<vmem>>
    %dma_wait3A_182 = tpu.memref_squeeze %dma_wait3A_181 : memref<1x128x32xf32, #tpu.memory_space<vmem>> -> memref<128x32xf32, #tpu.memory_space<vmem>>
    %dma_wait3A_183 = arith.constant 0 : i32
    %dma_wait3A_184 = tpu.memref_slice %arg12[%dma_wait3A, %dma_wait3A_183] : memref<4x128xi32, #tpu.memory_space<vmem>> -> memref<1x128xi32, #tpu.memory_space<vmem>>
    %dma_wait3A_185 = tpu.memref_squeeze %dma_wait3A_184 : memref<1x128xi32, #tpu.memory_space<vmem>> -> memref<128xi32, #tpu.memory_space<vmem>>
    %dma_wait3A_186 = arith.constant 0 : i32
    %dma_wait3A_187 = arith.constant 0 : i32
    %dma_wait3A_188 = tpu.memref_slice %arg4[%dma_wait3A_186, %dma_wait3A_187] : memref<359347x32xf32, #tpu.memory_space<hbm>> -> memref<359347x32xf32, #tpu.memory_space<hbm>>
    tpu.wait_indirect_dma semaphore(%arg18 : memref<!tpu.dma_semaphore, #tpu.memory_space<semaphore_mem>>) src(%dma_wait3A_188 : memref<359347x32xf32, #tpu.memory_space<hbm>>) dst(%dma_wait3A_182 : memref<128x32xf32, #tpu.memory_space<vmem>>)
    %dma_wait3A_189 = arith.constant 0 : i32
    %dma_wait3A_190 = arith.constant 0 : i32
    %dma_wait3A_191 = arith.constant 0 : i32
    %dma_wait3A_192 = arith.constant 0 : i32
    %dma_wait3A_193 = tpu.memref_slice %arg15[%dma_wait3A_190, %dma_wait3A_191, %dma_wait3A_192] : memref<4x128x32xf32, #tpu.memory_space<vmem>> -> memref<1x128x32xf32, #tpu.memory_space<vmem>>
    %dma_wait3A_194 = tpu.memref_squeeze %dma_wait3A_193 : memref<1x128x32xf32, #tpu.memory_space<vmem>> -> memref<128x32xf32, #tpu.memory_space<vmem>>
    %dma_wait3A_195 = arith.constant 0 : i32
    %dma_wait3A_196 = tpu.memref_slice %arg13[%dma_wait3A_189, %dma_wait3A_195] : memref<4x128xi32, #tpu.memory_space<vmem>> -> memref<1x128xi32, #tpu.memory_space<vmem>>
    %dma_wait3A_197 = tpu.memref_squeeze %dma_wait3A_196 : memref<1x128xi32, #tpu.memory_space<vmem>> -> memref<128xi32, #tpu.memory_space<vmem>>
    %dma_wait3A_198 = arith.constant 0 : i32
    %dma_wait3A_199 = arith.constant 0 : i32
    %dma_wait3A_200 = tpu.memref_slice %arg5[%dma_wait3A_198, %dma_wait3A_199] : memref<292589x32xf32, #tpu.memory_space<hbm>> -> memref<292589x32xf32, #tpu.memory_space<hbm>>
    tpu.wait_indirect_dma semaphore(%arg18 : memref<!tpu.dma_semaphore, #tpu.memory_space<semaphore_mem>>) src(%dma_wait3A_200 : memref<292589x32xf32, #tpu.memory_space<hbm>>) dst(%dma_wait3A_194 : memref<128x32xf32, #tpu.memory_space<vmem>>)
    %dma_wait3A_201 = arith.constant 0 : i32
    %dma_wait3A_202 = arith.constant 0 : i32
    %dma_wait3A_203 = arith.constant 0 : i32
    %dma_wait3A_204 = tpu.memref_slice %arg16[%dma_wait3A_202, %dma_wait3A_203] : memref<4x128xf32, #tpu.memory_space<vmem>> -> memref<1x128xf32, #tpu.memory_space<vmem>>
    %dma_wait3A_205 = tpu.memref_squeeze %dma_wait3A_204 : memref<1x128xf32, #tpu.memory_space<vmem>> -> memref<128xf32, #tpu.memory_space<vmem>>
    %dma_wait3A_206 = arith.constant 0 : i32
    %dma_wait3A_207 = tpu.memref_slice %arg12[%dma_wait3A_201, %dma_wait3A_206] : memref<4x128xi32, #tpu.memory_space<vmem>> -> memref<1x128xi32, #tpu.memory_space<vmem>>
    %dma_wait3A_208 = tpu.memref_squeeze %dma_wait3A_207 : memref<1x128xi32, #tpu.memory_space<vmem>> -> memref<128xi32, #tpu.memory_space<vmem>>
    %dma_wait3A_209 = arith.constant 0 : i32
    %dma_wait3A_210 = tpu.memref_slice %arg6[%dma_wait3A_209] : memref<359347xf32, #tpu.memory_space<hbm>> -> memref<359347xf32, #tpu.memory_space<hbm>>
    tpu.wait_indirect_dma semaphore(%arg18 : memref<!tpu.dma_semaphore, #tpu.memory_space<semaphore_mem>>) src(%dma_wait3A_210 : memref<359347xf32, #tpu.memory_space<hbm>>) dst(%dma_wait3A_205 : memref<128xf32, #tpu.memory_space<vmem>>)
    %dma_wait3A_211 = arith.constant 0 : i32
    %dma_wait3A_212 = arith.constant 0 : i32
    %dma_wait3A_213 = arith.constant 0 : i32
    %dma_wait3A_214 = tpu.memref_slice %arg17[%dma_wait3A_212, %dma_wait3A_213] : memref<4x128xf32, #tpu.memory_space<vmem>> -> memref<1x128xf32, #tpu.memory_space<vmem>>
    %dma_wait3A_215 = tpu.memref_squeeze %dma_wait3A_214 : memref<1x128xf32, #tpu.memory_space<vmem>> -> memref<128xf32, #tpu.memory_space<vmem>>
    %dma_wait3A_216 = arith.constant 0 : i32
    %dma_wait3A_217 = tpu.memref_slice %arg13[%dma_wait3A_211, %dma_wait3A_216] : memref<4x128xi32, #tpu.memory_space<vmem>> -> memref<1x128xi32, #tpu.memory_space<vmem>>
    %dma_wait3A_218 = tpu.memref_squeeze %dma_wait3A_217 : memref<1x128xi32, #tpu.memory_space<vmem>> -> memref<128xi32, #tpu.memory_space<vmem>>
    %dma_wait3A_219 = arith.constant 0 : i32
    %dma_wait3A_220 = tpu.memref_slice %arg7[%dma_wait3A_219] : memref<292589xf32, #tpu.memory_space<hbm>> -> memref<292589xf32, #tpu.memory_space<hbm>>
    tpu.wait_indirect_dma semaphore(%arg18 : memref<!tpu.dma_semaphore, #tpu.memory_space<semaphore_mem>>) src(%dma_wait3A_220 : memref<292589xf32, #tpu.memory_space<hbm>>) dst(%dma_wait3A_215 : memref<128xf32, #tpu.memory_space<vmem>>)
    %dma_wait3A_221 = arith.constant 1 : i32
    %dma_wait3A_222 = arith.constant 1 : i32
    %dma_wait3A_223 = arith.constant 0 : i32
    %dma_wait3A_224 = arith.constant 0 : i32
    %dma_wait3A_225 = tpu.memref_slice %arg14[%dma_wait3A_222, %dma_wait3A_223, %dma_wait3A_224] : memref<4x128x32xf32, #tpu.memory_space<vmem>> -> memref<1x128x32xf32, #tpu.memory_space<vmem>>
    %dma_wait3A_226 = tpu.memref_squeeze %dma_wait3A_225 : memref<1x128x32xf32, #tpu.memory_space<vmem>> -> memref<128x32xf32, #tpu.memory_space<vmem>>
    %dma_wait3A_227 = arith.constant 0 : i32
    %dma_wait3A_228 = tpu.memref_slice %arg12[%dma_wait3A_221, %dma_wait3A_227] : memref<4x128xi32, #tpu.memory_space<vmem>> -> memref<1x128xi32, #tpu.memory_space<vmem>>
    %dma_wait3A_229 = tpu.memref_squeeze %dma_wait3A_228 : memref<1x128xi32, #tpu.memory_space<vmem>> -> memref<128xi32, #tpu.memory_space<vmem>>
    %dma_wait3A_230 = arith.constant 0 : i32
    %dma_wait3A_231 = arith.constant 0 : i32
    %dma_wait3A_232 = tpu.memref_slice %arg4[%dma_wait3A_230, %dma_wait3A_231] : memref<359347x32xf32, #tpu.memory_space<hbm>> -> memref<359347x32xf32, #tpu.memory_space<hbm>>
    tpu.wait_indirect_dma semaphore(%arg18 : memref<!tpu.dma_semaphore, #tpu.memory_space<semaphore_mem>>) src(%dma_wait3A_232 : memref<359347x32xf32, #tpu.memory_space<hbm>>) dst(%dma_wait3A_226 : memref<128x32xf32, #tpu.memory_space<vmem>>)
    %dma_wait3A_233 = arith.constant 1 : i32
    %dma_wait3A_234 = arith.constant 1 : i32
    %dma_wait3A_235 = arith.constant 0 : i32
    %dma_wait3A_236 = arith.constant 0 : i32
    %dma_wait3A_237 = tpu.memref_slice %arg15[%dma_wait3A_234, %dma_wait3A_235, %dma_wait3A_236] : memref<4x128x32xf32, #tpu.memory_space<vmem>> -> memref<1x128x32xf32, #tpu.memory_space<vmem>>
    %dma_wait3A_238 = tpu.memref_squeeze %dma_wait3A_237 : memref<1x128x32xf32, #tpu.memory_space<vmem>> -> memref<128x32xf32, #tpu.memory_space<vmem>>
    %dma_wait3A_239 = arith.constant 0 : i32
    %dma_wait3A_240 = tpu.memref_slice %arg13[%dma_wait3A_233, %dma_wait3A_239] : memref<4x128xi32, #tpu.memory_space<vmem>> -> memref<1x128xi32, #tpu.memory_space<vmem>>
    %dma_wait3A_241 = tpu.memref_squeeze %dma_wait3A_240 : memref<1x128xi32, #tpu.memory_space<vmem>> -> memref<128xi32, #tpu.memory_space<vmem>>
    %dma_wait3A_242 = arith.constant 0 : i32
    %dma_wait3A_243 = arith.constant 0 : i32
    %dma_wait3A_244 = tpu.memref_slice %arg5[%dma_wait3A_242, %dma_wait3A_243] : memref<292589x32xf32, #tpu.memory_space<hbm>> -> memref<292589x32xf32, #tpu.memory_space<hbm>>
    tpu.wait_indirect_dma semaphore(%arg18 : memref<!tpu.dma_semaphore, #tpu.memory_space<semaphore_mem>>) src(%dma_wait3A_244 : memref<292589x32xf32, #tpu.memory_space<hbm>>) dst(%dma_wait3A_238 : memref<128x32xf32, #tpu.memory_space<vmem>>)
    %dma_wait3A_245 = arith.constant 1 : i32
    %dma_wait3A_246 = arith.constant 1 : i32
    %dma_wait3A_247 = arith.constant 0 : i32
    %dma_wait3A_248 = tpu.memref_slice %arg16[%dma_wait3A_246, %dma_wait3A_247] : memref<4x128xf32, #tpu.memory_space<vmem>> -> memref<1x128xf32, #tpu.memory_space<vmem>>
    %dma_wait3A_249 = tpu.memref_squeeze %dma_wait3A_248 : memref<1x128xf32, #tpu.memory_space<vmem>> -> memref<128xf32, #tpu.memory_space<vmem>>
    %dma_wait3A_250 = arith.constant 0 : i32
    %dma_wait3A_251 = tpu.memref_slice %arg12[%dma_wait3A_245, %dma_wait3A_250] : memref<4x128xi32, #tpu.memory_space<vmem>> -> memref<1x128xi32, #tpu.memory_space<vmem>>
    %dma_wait3A_252 = tpu.memref_squeeze %dma_wait3A_251 : memref<1x128xi32, #tpu.memory_space<vmem>> -> memref<128xi32, #tpu.memory_space<vmem>>
    %dma_wait3A_253 = arith.constant 0 : i32
    %dma_wait3A_254 = tpu.memref_slice %arg6[%dma_wait3A_253] : memref<359347xf32, #tpu.memory_space<hbm>> -> memref<359347xf32, #tpu.memory_space<hbm>>
    tpu.wait_indirect_dma semaphore(%arg18 : memref<!tpu.dma_semaphore, #tpu.memory_space<semaphore_mem>>) src(%dma_wait3A_254 : memref<359347xf32, #tpu.memory_space<hbm>>) dst(%dma_wait3A_249 : memref<128xf32, #tpu.memory_space<vmem>>)
    %dma_wait3A_255 = arith.constant 1 : i32
    %dma_wait3A_256 = arith.constant 1 : i32
    %dma_wait3A_257 = arith.constant 0 : i32
    %dma_wait3A_258 = tpu.memref_slice %arg17[%dma_wait3A_256, %dma_wait3A_257] : memref<4x128xf32, #tpu.memory_space<vmem>> -> memref<1x128xf32, #tpu.memory_space<vmem>>
    %dma_wait3A_259 = tpu.memref_squeeze %dma_wait3A_258 : memref<1x128xf32, #tpu.memory_space<vmem>> -> memref<128xf32, #tpu.memory_space<vmem>>
    %dma_wait3A_260 = arith.constant 0 : i32
    %dma_wait3A_261 = tpu.memref_slice %arg13[%dma_wait3A_255, %dma_wait3A_260] : memref<4x128xi32, #tpu.memory_space<vmem>> -> memref<1x128xi32, #tpu.memory_space<vmem>>
    %dma_wait3A_262 = tpu.memref_squeeze %dma_wait3A_261 : memref<1x128xi32, #tpu.memory_space<vmem>> -> memref<128xi32, #tpu.memory_space<vmem>>
    %dma_wait3A_263 = arith.constant 0 : i32
    %dma_wait3A_264 = tpu.memref_slice %arg7[%dma_wait3A_263] : memref<292589xf32, #tpu.memory_space<hbm>> -> memref<292589xf32, #tpu.memory_space<hbm>>
    tpu.wait_indirect_dma semaphore(%arg18 : memref<!tpu.dma_semaphore, #tpu.memory_space<semaphore_mem>>) src(%dma_wait3A_264 : memref<292589xf32, #tpu.memory_space<hbm>>) dst(%dma_wait3A_259 : memref<128xf32, #tpu.memory_space<vmem>>)
    %dma_wait3A_265 = arith.constant 2 : i32
    %dma_wait3A_266 = arith.constant 2 : i32
    %dma_wait3A_267 = arith.constant 0 : i32
    %dma_wait3A_268 = arith.constant 0 : i32
    %dma_wait3A_269 = tpu.memref_slice %arg14[%dma_wait3A_266, %dma_wait3A_267, %dma_wait3A_268] : memref<4x128x32xf32, #tpu.memory_space<vmem>> -> memref<1x128x32xf32, #tpu.memory_space<vmem>>
    %dma_wait3A_270 = tpu.memref_squeeze %dma_wait3A_269 : memref<1x128x32xf32, #tpu.memory_space<vmem>> -> memref<128x32xf32, #tpu.memory_space<vmem>>
    %dma_wait3A_271 = arith.constant 0 : i32
    %dma_wait3A_272 = tpu.memref_slice %arg12[%dma_wait3A_265, %dma_wait3A_271] : memref<4x128xi32, #tpu.memory_space<vmem>> -> memref<1x128xi32, #tpu.memory_space<vmem>>
    %dma_wait3A_273 = tpu.memref_squeeze %dma_wait3A_272 : memref<1x128xi32, #tpu.memory_space<vmem>> -> memref<128xi32, #tpu.memory_space<vmem>>
    %dma_wait3A_274 = arith.constant 0 : i32
    %dma_wait3A_275 = arith.constant 0 : i32
    %dma_wait3A_276 = tpu.memref_slice %arg4[%dma_wait3A_274, %dma_wait3A_275] : memref<359347x32xf32, #tpu.memory_space<hbm>> -> memref<359347x32xf32, #tpu.memory_space<hbm>>
    tpu.wait_indirect_dma semaphore(%arg18 : memref<!tpu.dma_semaphore, #tpu.memory_space<semaphore_mem>>) src(%dma_wait3A_276 : memref<359347x32xf32, #tpu.memory_space<hbm>>) dst(%dma_wait3A_270 : memref<128x32xf32, #tpu.memory_space<vmem>>)
    %dma_wait3A_277 = arith.constant 2 : i32
    %dma_wait3A_278 = arith.constant 2 : i32
    %dma_wait3A_279 = arith.constant 0 : i32
    %dma_wait3A_280 = arith.constant 0 : i32
    %dma_wait3A_281 = tpu.memref_slice %arg15[%dma_wait3A_278, %dma_wait3A_279, %dma_wait3A_280] : memref<4x128x32xf32, #tpu.memory_space<vmem>> -> memref<1x128x32xf32, #tpu.memory_space<vmem>>
    %dma_wait3A_282 = tpu.memref_squeeze %dma_wait3A_281 : memref<1x128x32xf32, #tpu.memory_space<vmem>> -> memref<128x32xf32, #tpu.memory_space<vmem>>
    %dma_wait3A_283 = arith.constant 0 : i32
    %dma_wait3A_284 = tpu.memref_slice %arg13[%dma_wait3A_277, %dma_wait3A_283] : memref<4x128xi32, #tpu.memory_space<vmem>> -> memref<1x128xi32, #tpu.memory_space<vmem>>
    %dma_wait3A_285 = tpu.memref_squeeze %dma_wait3A_284 : memref<1x128xi32, #tpu.memory_space<vmem>> -> memref<128xi32, #tpu.memory_space<vmem>>
    %dma_wait3A_286 = arith.constant 0 : i32
    %dma_wait3A_287 = arith.constant 0 : i32
    %dma_wait3A_288 = tpu.memref_slice %arg5[%dma_wait3A_286, %dma_wait3A_287] : memref<292589x32xf32, #tpu.memory_space<hbm>> -> memref<292589x32xf32, #tpu.memory_space<hbm>>
    tpu.wait_indirect_dma semaphore(%arg18 : memref<!tpu.dma_semaphore, #tpu.memory_space<semaphore_mem>>) src(%dma_wait3A_288 : memref<292589x32xf32, #tpu.memory_space<hbm>>) dst(%dma_wait3A_282 : memref<128x32xf32, #tpu.memory_space<vmem>>)
    %dma_wait3A_289 = arith.constant 2 : i32
    %dma_wait3A_290 = arith.constant 2 : i32
    %dma_wait3A_291 = arith.constant 0 : i32
    %dma_wait3A_292 = tpu.memref_slice %arg16[%dma_wait3A_290, %dma_wait3A_291] : memref<4x128xf32, #tpu.memory_space<vmem>> -> memref<1x128xf32, #tpu.memory_space<vmem>>
    %dma_wait3A_293 = tpu.memref_squeeze %dma_wait3A_292 : memref<1x128xf32, #tpu.memory_space<vmem>> -> memref<128xf32, #tpu.memory_space<vmem>>
    %dma_wait3A_294 = arith.constant 0 : i32
    %dma_wait3A_295 = tpu.memref_slice %arg12[%dma_wait3A_289, %dma_wait3A_294] : memref<4x128xi32, #tpu.memory_space<vmem>> -> memref<1x128xi32, #tpu.memory_space<vmem>>
    %dma_wait3A_296 = tpu.memref_squeeze %dma_wait3A_295 : memref<1x128xi32, #tpu.memory_space<vmem>> -> memref<128xi32, #tpu.memory_space<vmem>>
    %dma_wait3A_297 = arith.constant 0 : i32
    %dma_wait3A_298 = tpu.memref_slice %arg6[%dma_wait3A_297] : memref<359347xf32, #tpu.memory_space<hbm>> -> memref<359347xf32, #tpu.memory_space<hbm>>
    tpu.wait_indirect_dma semaphore(%arg18 : memref<!tpu.dma_semaphore, #tpu.memory_space<semaphore_mem>>) src(%dma_wait3A_298 : memref<359347xf32, #tpu.memory_space<hbm>>) dst(%dma_wait3A_293 : memref<128xf32, #tpu.memory_space<vmem>>)
    %dma_wait3A_299 = arith.constant 2 : i32
    %dma_wait3A_300 = arith.constant 2 : i32
    %dma_wait3A_301 = arith.constant 0 : i32
    %dma_wait3A_302 = tpu.memref_slice %arg17[%dma_wait3A_300, %dma_wait3A_301] : memref<4x128xf32, #tpu.memory_space<vmem>> -> memref<1x128xf32, #tpu.memory_space<vmem>>
    %dma_wait3A_303 = tpu.memref_squeeze %dma_wait3A_302 : memref<1x128xf32, #tpu.memory_space<vmem>> -> memref<128xf32, #tpu.memory_space<vmem>>
    %dma_wait3A_304 = arith.constant 0 : i32
    %dma_wait3A_305 = tpu.memref_slice %arg13[%dma_wait3A_299, %dma_wait3A_304] : memref<4x128xi32, #tpu.memory_space<vmem>> -> memref<1x128xi32, #tpu.memory_space<vmem>>
    %dma_wait3A_306 = tpu.memref_squeeze %dma_wait3A_305 : memref<1x128xi32, #tpu.memory_space<vmem>> -> memref<128xi32, #tpu.memory_space<vmem>>
    %dma_wait3A_307 = arith.constant 0 : i32
    %dma_wait3A_308 = tpu.memref_slice %arg7[%dma_wait3A_307] : memref<292589xf32, #tpu.memory_space<hbm>> -> memref<292589xf32, #tpu.memory_space<hbm>>
    tpu.wait_indirect_dma semaphore(%arg18 : memref<!tpu.dma_semaphore, #tpu.memory_space<semaphore_mem>>) src(%dma_wait3A_308 : memref<292589xf32, #tpu.memory_space<hbm>>) dst(%dma_wait3A_303 : memref<128xf32, #tpu.memory_space<vmem>>)
    %dma_wait3A_309 = arith.constant 3 : i32
    %dma_wait3A_310 = arith.constant 3 : i32
    %dma_wait3A_311 = arith.constant 0 : i32
    %dma_wait3A_312 = arith.constant 0 : i32
    %dma_wait3A_313 = tpu.memref_slice %arg14[%dma_wait3A_310, %dma_wait3A_311, %dma_wait3A_312] : memref<4x128x32xf32, #tpu.memory_space<vmem>> -> memref<1x128x32xf32, #tpu.memory_space<vmem>>
    %dma_wait3A_314 = tpu.memref_squeeze %dma_wait3A_313 : memref<1x128x32xf32, #tpu.memory_space<vmem>> -> memref<128x32xf32, #tpu.memory_space<vmem>>
    %dma_wait3A_315 = arith.constant 0 : i32
    %dma_wait3A_316 = tpu.memref_slice %arg12[%dma_wait3A_309, %dma_wait3A_315] : memref<4x128xi32, #tpu.memory_space<vmem>> -> memref<1x128xi32, #tpu.memory_space<vmem>>
    %dma_wait3A_317 = tpu.memref_squeeze %dma_wait3A_316 : memref<1x128xi32, #tpu.memory_space<vmem>> -> memref<128xi32, #tpu.memory_space<vmem>>
    %dma_wait3A_318 = arith.constant 0 : i32
    %dma_wait3A_319 = arith.constant 0 : i32
    %dma_wait3A_320 = tpu.memref_slice %arg4[%dma_wait3A_318, %dma_wait3A_319] : memref<359347x32xf32, #tpu.memory_space<hbm>> -> memref<359347x32xf32, #tpu.memory_space<hbm>>
    tpu.wait_indirect_dma semaphore(%arg18 : memref<!tpu.dma_semaphore, #tpu.memory_space<semaphore_mem>>) src(%dma_wait3A_320 : memref<359347x32xf32, #tpu.memory_space<hbm>>) dst(%dma_wait3A_314 : memref<128x32xf32, #tpu.memory_space<vmem>>)
    %dma_wait3A_321 = arith.constant 3 : i32
    %dma_wait3A_322 = arith.constant 3 : i32
    %dma_wait3A_323 = arith.constant 0 : i32
    %dma_wait3A_324 = arith.constant 0 : i32
    %dma_wait3A_325 = tpu.memref_slice %arg15[%dma_wait3A_322, %dma_wait3A_323, %dma_wait3A_324] : memref<4x128x32xf32, #tpu.memory_space<vmem>> -> memref<1x128x32xf32, #tpu.memory_space<vmem>>
    %dma_wait3A_326 = tpu.memref_squeeze %dma_wait3A_325 : memref<1x128x32xf32, #tpu.memory_space<vmem>> -> memref<128x32xf32, #tpu.memory_space<vmem>>
    %dma_wait3A_327 = arith.constant 0 : i32
    %dma_wait3A_328 = tpu.memref_slice %arg13[%dma_wait3A_321, %dma_wait3A_327] : memref<4x128xi32, #tpu.memory_space<vmem>> -> memref<1x128xi32, #tpu.memory_space<vmem>>
    %dma_wait3A_329 = tpu.memref_squeeze %dma_wait3A_328 : memref<1x128xi32, #tpu.memory_space<vmem>> -> memref<128xi32, #tpu.memory_space<vmem>>
    %dma_wait3A_330 = arith.constant 0 : i32
    %dma_wait3A_331 = arith.constant 0 : i32
    %dma_wait3A_332 = tpu.memref_slice %arg5[%dma_wait3A_330, %dma_wait3A_331] : memref<292589x32xf32, #tpu.memory_space<hbm>> -> memref<292589x32xf32, #tpu.memory_space<hbm>>
    tpu.wait_indirect_dma semaphore(%arg18 : memref<!tpu.dma_semaphore, #tpu.memory_space<semaphore_mem>>) src(%dma_wait3A_332 : memref<292589x32xf32, #tpu.memory_space<hbm>>) dst(%dma_wait3A_326 : memref<128x32xf32, #tpu.memory_space<vmem>>)
    %dma_wait3A_333 = arith.constant 3 : i32
    %dma_wait3A_334 = arith.constant 3 : i32
    %dma_wait3A_335 = arith.constant 0 : i32
    %dma_wait3A_336 = tpu.memref_slice %arg16[%dma_wait3A_334, %dma_wait3A_335] : memref<4x128xf32, #tpu.memory_space<vmem>> -> memref<1x128xf32, #tpu.memory_space<vmem>>
    %dma_wait3A_337 = tpu.memref_squeeze %dma_wait3A_336 : memref<1x128xf32, #tpu.memory_space<vmem>> -> memref<128xf32, #tpu.memory_space<vmem>>
    %dma_wait3A_338 = arith.constant 0 : i32
    %dma_wait3A_339 = tpu.memref_slice %arg12[%dma_wait3A_333, %dma_wait3A_338] : memref<4x128xi32, #tpu.memory_space<vmem>> -> memref<1x128xi32, #tpu.memory_space<vmem>>
    %dma_wait3A_340 = tpu.memref_squeeze %dma_wait3A_339 : memref<1x128xi32, #tpu.memory_space<vmem>> -> memref<128xi32, #tpu.memory_space<vmem>>
    %dma_wait3A_341 = arith.constant 0 : i32
    %dma_wait3A_342 = tpu.memref_slice %arg6[%dma_wait3A_341] : memref<359347xf32, #tpu.memory_space<hbm>> -> memref<359347xf32, #tpu.memory_space<hbm>>
    tpu.wait_indirect_dma semaphore(%arg18 : memref<!tpu.dma_semaphore, #tpu.memory_space<semaphore_mem>>) src(%dma_wait3A_342 : memref<359347xf32, #tpu.memory_space<hbm>>) dst(%dma_wait3A_337 : memref<128xf32, #tpu.memory_space<vmem>>)
    %dma_wait3A_343 = arith.constant 3 : i32
    %dma_wait3A_344 = arith.constant 3 : i32
    %dma_wait3A_345 = arith.constant 0 : i32
    %dma_wait3A_346 = tpu.memref_slice %arg17[%dma_wait3A_344, %dma_wait3A_345] : memref<4x128xf32, #tpu.memory_space<vmem>> -> memref<1x128xf32, #tpu.memory_space<vmem>>
    %dma_wait3A_347 = tpu.memref_squeeze %dma_wait3A_346 : memref<1x128xf32, #tpu.memory_space<vmem>> -> memref<128xf32, #tpu.memory_space<vmem>>
    %dma_wait3A_348 = arith.constant 0 : i32
    %dma_wait3A_349 = tpu.memref_slice %arg13[%dma_wait3A_343, %dma_wait3A_348] : memref<4x128xi32, #tpu.memory_space<vmem>> -> memref<1x128xi32, #tpu.memory_space<vmem>>
    %dma_wait3A_350 = tpu.memref_squeeze %dma_wait3A_349 : memref<1x128xi32, #tpu.memory_space<vmem>> -> memref<128xi32, #tpu.memory_space<vmem>>
    %dma_wait3A_351 = arith.constant 0 : i32
    %dma_wait3A_352 = tpu.memref_slice %arg7[%dma_wait3A_351] : memref<292589xf32, #tpu.memory_space<hbm>> -> memref<292589xf32, #tpu.memory_space<hbm>>
    tpu.wait_indirect_dma semaphore(%arg18 : memref<!tpu.dma_semaphore, #tpu.memory_space<semaphore_mem>>) src(%dma_wait3A_352 : memref<292589xf32, #tpu.memory_space<hbm>>) dst(%dma_wait3A_347 : memref<128xf32, #tpu.memory_space<vmem>>)
    "tpu.region"() ({
      %run_scoped3A = tpu.sem_alloc : memref<!tpu.dma_semaphore, #tpu.memory_space<semaphore_mem>>
      %dma_start3A_353 = arith.constant 0 : i32
      %dma_start3A_354 = arith.constant 0 : i32
      %dma_start3A_355 = tpu.memref_slice %arg8[%mul3A_2, %dma_start3A_353, %dma_start3A_354] : memref<128x128x32xf32, #tpu.memory_space<hbm>> -> memref<4x128x32xf32, #tpu.memory_space<hbm>>
      %dma_start3A_356 = arith.constant 0 : i32
      %dma_start3A_357 = arith.constant 0 : i32
      %dma_start3A_358 = tpu.memref_slice %arg8[%mul3A_2, %dma_start3A_356, %dma_start3A_357] : memref<128x128x32xf32, #tpu.memory_space<hbm>> -> memref<4x128x32xf32, #tpu.memory_space<hbm>>
      tpu.enqueue_dma source(%arg14 : memref<4x128x32xf32, #tpu.memory_space<vmem>>) target(%dma_start3A_358 : memref<4x128x32xf32, #tpu.memory_space<hbm>>) target_semaphore(%run_scoped3A : memref<!tpu.dma_semaphore, #tpu.memory_space<semaphore_mem>>)
      %dma_wait3A_359 = arith.constant 0 : i32
      %dma_wait3A_360 = arith.constant 0 : i32
      %dma_wait3A_361 = tpu.memref_slice %arg8[%mul3A_2, %dma_wait3A_359, %dma_wait3A_360] : memref<128x128x32xf32, #tpu.memory_space<hbm>> -> memref<4x128x32xf32, #tpu.memory_space<hbm>>
      %dma_wait3A_362 = arith.constant 0 : i32
      %dma_wait3A_363 = arith.constant 0 : i32
      %dma_wait3A_364 = tpu.memref_slice %arg8[%mul3A_2, %dma_wait3A_362, %dma_wait3A_363] : memref<128x128x32xf32, #tpu.memory_space<hbm>> -> memref<4x128x32xf32, #tpu.memory_space<hbm>>
      tpu.wait_dma2 semaphore(%run_scoped3A : memref<!tpu.dma_semaphore, #tpu.memory_space<semaphore_mem>>) src(%arg14 : memref<4x128x32xf32, #tpu.memory_space<vmem>>) dst(%dma_wait3A_364 : memref<4x128x32xf32, #tpu.memory_space<hbm>>)
      tpu.yield
    }) : () -> ()
    "tpu.region"() ({
      %run_scoped3A = tpu.sem_alloc : memref<!tpu.dma_semaphore, #tpu.memory_space<semaphore_mem>>
      %dma_start3A_353 = arith.constant 0 : i32
      %dma_start3A_354 = arith.constant 0 : i32
      %dma_start3A_355 = tpu.memref_slice %arg9[%mul3A_2, %dma_start3A_353, %dma_start3A_354] : memref<128x128x32xf32, #tpu.memory_space<hbm>> -> memref<4x128x32xf32, #tpu.memory_space<hbm>>
      %dma_start3A_356 = arith.constant 0 : i32
      %dma_start3A_357 = arith.constant 0 : i32
      %dma_start3A_358 = tpu.memref_slice %arg9[%mul3A_2, %dma_start3A_356, %dma_start3A_357] : memref<128x128x32xf32, #tpu.memory_space<hbm>> -> memref<4x128x32xf32, #tpu.memory_space<hbm>>
      tpu.enqueue_dma source(%arg15 : memref<4x128x32xf32, #tpu.memory_space<vmem>>) target(%dma_start3A_358 : memref<4x128x32xf32, #tpu.memory_space<hbm>>) target_semaphore(%run_scoped3A : memref<!tpu.dma_semaphore, #tpu.memory_space<semaphore_mem>>)
      %dma_wait3A_359 = arith.constant 0 : i32
      %dma_wait3A_360 = arith.constant 0 : i32
      %dma_wait3A_361 = tpu.memref_slice %arg9[%mul3A_2, %dma_wait3A_359, %dma_wait3A_360] : memref<128x128x32xf32, #tpu.memory_space<hbm>> -> memref<4x128x32xf32, #tpu.memory_space<hbm>>
      %dma_wait3A_362 = arith.constant 0 : i32
      %dma_wait3A_363 = arith.constant 0 : i32
      %dma_wait3A_364 = tpu.memref_slice %arg9[%mul3A_2, %dma_wait3A_362, %dma_wait3A_363] : memref<128x128x32xf32, #tpu.memory_space<hbm>> -> memref<4x128x32xf32, #tpu.memory_space<hbm>>
      tpu.wait_dma2 semaphore(%run_scoped3A : memref<!tpu.dma_semaphore, #tpu.memory_space<semaphore_mem>>) src(%arg15 : memref<4x128x32xf32, #tpu.memory_space<vmem>>) dst(%dma_wait3A_364 : memref<4x128x32xf32, #tpu.memory_space<hbm>>)
      tpu.yield
    }) : () -> ()
    "tpu.region"() ({
      %run_scoped3A = tpu.sem_alloc : memref<!tpu.dma_semaphore, #tpu.memory_space<semaphore_mem>>
      %dma_start3A_353 = arith.constant 0 : i32
      %dma_start3A_354 = tpu.memref_slice %arg10[%mul3A_2, %dma_start3A_353] : memref<128x128xf32, #tpu.memory_space<hbm>> -> memref<4x128xf32, #tpu.memory_space<hbm>>
      %dma_start3A_355 = arith.constant 0 : i32
      %dma_start3A_356 = tpu.memref_slice %arg10[%mul3A_2, %dma_start3A_355] : memref<128x128xf32, #tpu.memory_space<hbm>> -> memref<4x128xf32, #tpu.memory_space<hbm>>
      tpu.enqueue_dma source(%arg16 : memref<4x128xf32, #tpu.memory_space<vmem>>) target(%dma_start3A_356 : memref<4x128xf32, #tpu.memory_space<hbm>>) target_semaphore(%run_scoped3A : memref<!tpu.dma_semaphore, #tpu.memory_space<semaphore_mem>>)
      %dma_wait3A_357 = arith.constant 0 : i32
      %dma_wait3A_358 = tpu.memref_slice %arg10[%mul3A_2, %dma_wait3A_357] : memref<128x128xf32, #tpu.memory_space<hbm>> -> memref<4x128xf32, #tpu.memory_space<hbm>>
      %dma_wait3A_359 = arith.constant 0 : i32
      %dma_wait3A_360 = tpu.memref_slice %arg10[%mul3A_2, %dma_wait3A_359] : memref<128x128xf32, #tpu.memory_space<hbm>> -> memref<4x128xf32, #tpu.memory_space<hbm>>
      tpu.wait_dma2 semaphore(%run_scoped3A : memref<!tpu.dma_semaphore, #tpu.memory_space<semaphore_mem>>) src(%arg16 : memref<4x128xf32, #tpu.memory_space<vmem>>) dst(%dma_wait3A_360 : memref<4x128xf32, #tpu.memory_space<hbm>>)
      tpu.yield
    }) : () -> ()
    "tpu.region"() ({
      %run_scoped3A = tpu.sem_alloc : memref<!tpu.dma_semaphore, #tpu.memory_space<semaphore_mem>>
      %dma_start3A_353 = arith.constant 0 : i32
      %dma_start3A_354 = tpu.memref_slice %arg11[%mul3A_2, %dma_start3A_353] : memref<128x128xf32, #tpu.memory_space<hbm>> -> memref<4x128xf32, #tpu.memory_space<hbm>>
      %dma_start3A_355 = arith.constant 0 : i32
      %dma_start3A_356 = tpu.memref_slice %arg11[%mul3A_2, %dma_start3A_355] : memref<128x128xf32, #tpu.memory_space<hbm>> -> memref<4x128xf32, #tpu.memory_space<hbm>>
      tpu.enqueue_dma source(%arg17 : memref<4x128xf32, #tpu.memory_space<vmem>>) target(%dma_start3A_356 : memref<4x128xf32, #tpu.memory_space<hbm>>) target_semaphore(%run_scoped3A : memref<!tpu.dma_semaphore, #tpu.memory_space<semaphore_mem>>)
      %dma_wait3A_357 = arith.constant 0 : i32
      %dma_wait3A_358 = tpu.memref_slice %arg11[%mul3A_2, %dma_wait3A_357] : memref<128x128xf32, #tpu.memory_space<hbm>> -> memref<4x128xf32, #tpu.memory_space<hbm>>
      %dma_wait3A_359 = arith.constant 0 : i32
      %dma_wait3A_360 = tpu.memref_slice %arg11[%mul3A_2, %dma_wait3A_359] : memref<128x128xf32, #tpu.memory_space<hbm>> -> memref<4x128xf32, #tpu.memory_space<hbm>>
      tpu.wait_dma2 semaphore(%run_scoped3A : memref<!tpu.dma_semaphore, #tpu.memory_space<semaphore_mem>>) src(%arg17 : memref<4x128xf32, #tpu.memory_space<vmem>>) dst(%dma_wait3A_360 : memref<4x128xf32, #tpu.memory_space<hbm>>)
      tpu.yield
    }) : () -> ()
    return
  }
}

module attributes {stable_mosaic.version = 14 : i64} {
  func.func @_dense_body(%arg0: i32, %arg1: memref<1xf32, #tpu.memory_space<smem>>, %arg2: memref<2048x32xf32, #tpu.memory_space<vmem>>, %arg3: memref<2048x32xf32, #tpu.memory_space<vmem>>, %arg4: memref<2048x1xf32, #tpu.memory_space<vmem>>, %arg5: memref<2048x1xf32, #tpu.memory_space<vmem>>, %arg6: memref<2048x1xf32, #tpu.memory_space<vmem>>, %arg7: memref<32x64xf32, #tpu.memory_space<vmem>>, %arg8: memref<1x64xf32, #tpu.memory_space<vmem>>, %arg9: memref<64x32xf32, #tpu.memory_space<vmem>>, %arg10: memref<1x32xf32, #tpu.memory_space<vmem>>, %arg11: memref<1x1xf32, #tpu.memory_space<smem>>, %arg12: memref<1x1xf32, #tpu.memory_space<smem>>, %arg13: memref<3xf32, #tpu.memory_space<smem>>) attributes {dimension_semantics = [#tpu.dimension_semantics<arbitrary>], iteration_bounds = array<i64: 8>, scalar_prefetch = 0 : i64, scratch_operands = 1 : i64, tpu.core_type = #tpu.core_type<tc>, window_params = [{transform_indices = @transform_0, window_bounds = array<i64: 1>}, {transform_indices = @transform_1, window_bounds = array<i64: 2048, 32>}, {transform_indices = @transform_2, window_bounds = array<i64: 2048, 32>}, {transform_indices = @transform_3, window_bounds = array<i64: 2048, 1>}, {transform_indices = @transform_4, window_bounds = array<i64: 2048, 1>}, {transform_indices = @transform_5, window_bounds = array<i64: 2048, 1>}, {pipeline_mode = #tpu.pipeline_mode<synchronous>, transform_indices = @transform_6, window_bounds = array<i64: 32, 64>}, {pipeline_mode = #tpu.pipeline_mode<synchronous>, transform_indices = @transform_7, window_bounds = array<i64: 1, 64>}, {pipeline_mode = #tpu.pipeline_mode<synchronous>, transform_indices = @transform_8, window_bounds = array<i64: 64, 32>}, {pipeline_mode = #tpu.pipeline_mode<synchronous>, transform_indices = @transform_9, window_bounds = array<i64: 1, 32>}, {transform_indices = @transform_10, window_bounds = array<i64: 1, 1>}, {transform_indices = @transform_11, window_bounds = array<i64: 1, 1>}]} {
    %eq3A = arith.constant 0 : i32
    %eq3A_0 = arith.cmpi eq, %arg0, %eq3A : i32
    %convert_element_type3A = arith.extui %eq3A_0 : i1 to i32
    %cond3A = arith.constant 0 : i32
    %cond3A_1 = arith.cmpi ne, %convert_element_type3A, %cond3A : i32
    scf.if %cond3A_1 {
      %swap3A_112 = arith.constant 0.000000e+00 : f32
      %swap3A_113 = arith.constant 0 : index
      %swap3A_114 = memref.load %arg13[%swap3A_113] : memref<3xf32, #tpu.memory_space<smem>>
      memref.store %swap3A_112, %arg13[%swap3A_113] : memref<3xf32, #tpu.memory_space<smem>>
      %swap3A_115 = arith.constant 0.000000e+00 : f32
      %swap3A_116 = arith.constant 1 : index
      %swap3A_117 = memref.load %arg13[%swap3A_116] : memref<3xf32, #tpu.memory_space<smem>>
      memref.store %swap3A_115, %arg13[%swap3A_116] : memref<3xf32, #tpu.memory_space<smem>>
      %swap3A_118 = arith.constant 0.000000e+00 : f32
      %swap3A_119 = arith.constant 2 : index
      %swap3A_120 = memref.load %arg13[%swap3A_119] : memref<3xf32, #tpu.memory_space<smem>>
      memref.store %swap3A_118, %arg13[%swap3A_119] : memref<3xf32, #tpu.memory_space<smem>>
    } else {
    }
    %get3A = arith.constant 0 : index
    %get3A_2 = arith.constant 0 : index
    %get3A_3 = vector.load %arg7[%get3A, %get3A_2] : memref<32x64xf32, #tpu.memory_space<vmem>>, vector<32x64xf32>
    %get3A_4 = arith.constant 0 : index
    %get3A_5 = arith.constant 0 : index
    %get3A_6 = vector.load %arg9[%get3A_4, %get3A_5] : memref<64x32xf32, #tpu.memory_space<vmem>>, vector<64x32xf32>
    %get3A_7 = arith.constant 0 : index
    %get3A_8 = arith.constant 0 : index
    %get3A_9 = vector.load %arg8[%get3A_7, %get3A_8] : memref<1x64xf32, #tpu.memory_space<vmem>>, vector<1x64xf32>
    %get3A_10 = arith.constant 0 : index
    %get3A_11 = arith.constant 0 : index
    %get3A_12 = vector.load %arg10[%get3A_10, %get3A_11] : memref<1x32xf32, #tpu.memory_space<vmem>>, vector<1x32xf32>
    %get3A_13 = arith.constant 0 : index
    %get3A_14 = arith.constant 0 : index
    %get3A_15 = vector.load %arg2[%get3A_13, %get3A_14] : memref<2048x32xf32, #tpu.memory_space<vmem>>, vector<2048x32xf32>
    %dot_general3A = arith.constant dense<0.000000e+00> : vector<2048x64xf32>
    %dot_general3A_16 = tpu.matmul %get3A_15, %get3A_3, %dot_general3A {dimension_numbers = #tpu.dot_dimension_numbers<[1], [0], [0], [1], [0, 0, 1, 1], [], []>, transpose_lhs_hint = false} : vector<2048x32xf32>, vector<32x64xf32>, vector<2048x64xf32> -> vector<2048x64xf32>
    %add3A = vector.broadcast %get3A_9 : vector<1x64xf32> to vector<2048x64xf32>
    %add3A_17 = arith.addf %dot_general3A_16, %add3A : vector<2048x64xf32>
    %ge3A = arith.constant 0.000000e+00 : f32
    %ge3A_18 = vector.broadcast %ge3A : f32 to vector<2048x64xf32>
    %ge3A_19 = arith.cmpf oge, %add3A_17, %ge3A_18 : vector<2048x64xf32>
    %mul3A = arith.constant 1.000000e-01 : f32
    %mul3A_20 = vector.broadcast %mul3A : f32 to vector<2048x64xf32>
    %mul3A_21 = arith.mulf %mul3A_20, %add3A_17 : vector<2048x64xf32>
    %select_n3A = arith.select %ge3A_19, %add3A_17, %mul3A_21 : vector<2048x64xi1>, vector<2048x64xf32>
    %dot_general3A_22 = arith.constant dense<0.000000e+00> : vector<2048x32xf32>
    %dot_general3A_23 = tpu.matmul %select_n3A, %get3A_6, %dot_general3A_22 {dimension_numbers = #tpu.dot_dimension_numbers<[1], [0], [0], [1], [0, 0, 1, 1], [], []>, transpose_lhs_hint = false} : vector<2048x64xf32>, vector<64x32xf32>, vector<2048x32xf32> -> vector<2048x32xf32>
    %add3A_24 = vector.broadcast %get3A_12 : vector<1x32xf32> to vector<2048x32xf32>
    %add3A_25 = arith.addf %dot_general3A_23, %add3A_24 : vector<2048x32xf32>
    %ge3A_26 = arith.constant 0.000000e+00 : f32
    %ge3A_27 = vector.broadcast %ge3A_26 : f32 to vector<2048x32xf32>
    %ge3A_28 = arith.cmpf oge, %add3A_25, %ge3A_27 : vector<2048x32xf32>
    %mul3A_29 = arith.constant 1.000000e-01 : f32
    %mul3A_30 = vector.broadcast %mul3A_29 : f32 to vector<2048x32xf32>
    %mul3A_31 = arith.mulf %mul3A_30, %add3A_25 : vector<2048x32xf32>
    %select_n3A_32 = arith.select %ge3A_28, %add3A_25, %mul3A_31 : vector<2048x32xi1>, vector<2048x32xf32>
    %get3A_33 = arith.constant 0 : index
    %get3A_34 = arith.constant 0 : index
    %get3A_35 = vector.load %arg3[%get3A_33, %get3A_34] : memref<2048x32xf32, #tpu.memory_space<vmem>>, vector<2048x32xf32>
    %dot_general3A_36 = arith.constant dense<0.000000e+00> : vector<2048x64xf32>
    %dot_general3A_37 = tpu.matmul %get3A_35, %get3A_3, %dot_general3A_36 {dimension_numbers = #tpu.dot_dimension_numbers<[1], [0], [0], [1], [0, 0, 1, 1], [], []>, transpose_lhs_hint = false} : vector<2048x32xf32>, vector<32x64xf32>, vector<2048x64xf32> -> vector<2048x64xf32>
    %add3A_38 = vector.broadcast %get3A_9 : vector<1x64xf32> to vector<2048x64xf32>
    %add3A_39 = arith.addf %dot_general3A_37, %add3A_38 : vector<2048x64xf32>
    %ge3A_40 = arith.constant 0.000000e+00 : f32
    %ge3A_41 = vector.broadcast %ge3A_40 : f32 to vector<2048x64xf32>
    %ge3A_42 = arith.cmpf oge, %add3A_39, %ge3A_41 : vector<2048x64xf32>
    %mul3A_43 = arith.constant 1.000000e-01 : f32
    %mul3A_44 = vector.broadcast %mul3A_43 : f32 to vector<2048x64xf32>
    %mul3A_45 = arith.mulf %mul3A_44, %add3A_39 : vector<2048x64xf32>
    %select_n3A_46 = arith.select %ge3A_42, %add3A_39, %mul3A_45 : vector<2048x64xi1>, vector<2048x64xf32>
    %dot_general3A_47 = arith.constant dense<0.000000e+00> : vector<2048x32xf32>
    %dot_general3A_48 = tpu.matmul %select_n3A_46, %get3A_6, %dot_general3A_47 {dimension_numbers = #tpu.dot_dimension_numbers<[1], [0], [0], [1], [0, 0, 1, 1], [], []>, transpose_lhs_hint = false} : vector<2048x64xf32>, vector<64x32xf32>, vector<2048x32xf32> -> vector<2048x32xf32>
    %add3A_49 = vector.broadcast %get3A_12 : vector<1x32xf32> to vector<2048x32xf32>
    %add3A_50 = arith.addf %dot_general3A_48, %add3A_49 : vector<2048x32xf32>
    %ge3A_51 = arith.constant 0.000000e+00 : f32
    %ge3A_52 = vector.broadcast %ge3A_51 : f32 to vector<2048x32xf32>
    %ge3A_53 = arith.cmpf oge, %add3A_50, %ge3A_52 : vector<2048x32xf32>
    %mul3A_54 = arith.constant 1.000000e-01 : f32
    %mul3A_55 = vector.broadcast %mul3A_54 : f32 to vector<2048x32xf32>
    %mul3A_56 = arith.mulf %mul3A_55, %add3A_50 : vector<2048x32xf32>
    %select_n3A_57 = arith.select %ge3A_53, %add3A_50, %mul3A_56 : vector<2048x32xi1>, vector<2048x32xf32>
    %mul3A_58 = arith.mulf %select_n3A_32, %select_n3A_57 : vector<2048x32xf32>
    %reduce_sum3A = arith.constant dense<0.000000e+00> : vector<2048xf32>
    %reduce_sum3A_59 = vector.multi_reduction <add>, %mul3A_58, %reduce_sum3A [1] : vector<2048x32xf32> to vector<2048xf32>
    %broadcast_in_dim3A = vector.shape_cast %reduce_sum3A_59 : vector<2048xf32> to vector<2048x1xf32>
    %get3A_60 = arith.constant 0 : index
    %get3A_61 = arith.constant 0 : index
    %get3A_62 = vector.load %arg4[%get3A_60, %get3A_61] : memref<2048x1xf32, #tpu.memory_space<vmem>>, vector<2048x1xf32>
    %add3A_63 = arith.addf %broadcast_in_dim3A, %get3A_62 : vector<2048x1xf32>
    %get3A_64 = arith.constant 0 : index
    %get3A_65 = arith.constant 0 : index
    %get3A_66 = vector.load %arg5[%get3A_64, %get3A_65] : memref<2048x1xf32, #tpu.memory_space<vmem>>, vector<2048x1xf32>
    %add3A_67 = arith.addf %add3A_63, %get3A_66 : vector<2048x1xf32>
    %get3A_68 = arith.constant 0 : index
    %get3A_69 = memref.load %arg1[%get3A_68] : memref<1xf32, #tpu.memory_space<smem>>
    %add3A_70 = vector.broadcast %get3A_69 : f32 to vector<2048x1xf32>
    %add3A_71 = arith.addf %add3A_67, %add3A_70 : vector<2048x1xf32>
    %get3A_72 = arith.constant 0 : index
    %get3A_73 = arith.constant 0 : index
    %get3A_74 = vector.load %arg6[%get3A_72, %get3A_73] : memref<2048x1xf32, #tpu.memory_space<vmem>>, vector<2048x1xf32>
    %sub3A = arith.subf %add3A_71, %get3A_74 : vector<2048x1xf32>
    %get3A_75 = arith.constant 0 : index
    %get3A_76 = memref.load %arg13[%get3A_75] : memref<3xf32, #tpu.memory_space<smem>>
    %mul3A_77 = arith.mulf %sub3A, %sub3A : vector<2048x1xf32>
    %reduce_sum3A_78 = vector.shape_cast %mul3A_77 : vector<2048x1xf32> to vector<1x2048x1xf32>
    %reduce_sum3A_79 = arith.constant dense<0.000000e+00> : vector<1xf32>
    %reduce_sum3A_80 = vector.multi_reduction <add>, %reduce_sum3A_78, %reduce_sum3A_79 [1, 2] : vector<1x2048x1xf32> to vector<1xf32>
    %reduce_sum3A_81 = vector.shape_cast %reduce_sum3A_80 : vector<1xf32> to vector<1x1x1xf32>
    %reduce_sum3A_82 = vector.extract %reduce_sum3A_81[0, 0, 0] : f32 from vector<1x1x1xf32>
    %add3A_83 = arith.addf %get3A_76, %reduce_sum3A_82 : f32
    %swap3A = arith.constant 0 : index
    %swap3A_84 = memref.load %arg13[%swap3A] : memref<3xf32, #tpu.memory_space<smem>>
    memref.store %add3A_83, %arg13[%swap3A] : memref<3xf32, #tpu.memory_space<smem>>
    %get3A_85 = arith.constant 1 : index
    %get3A_86 = memref.load %arg13[%get3A_85] : memref<3xf32, #tpu.memory_space<smem>>
    %mul3A_87 = arith.mulf %select_n3A_32, %select_n3A_32 : vector<2048x32xf32>
    %reduce_sum3A_88 = vector.shape_cast %mul3A_87 : vector<2048x32xf32> to vector<1x2048x32xf32>
    %reduce_sum3A_89 = arith.constant dense<0.000000e+00> : vector<1xf32>
    %reduce_sum3A_90 = vector.multi_reduction <add>, %reduce_sum3A_88, %reduce_sum3A_89 [1, 2] : vector<1x2048x32xf32> to vector<1xf32>
    %reduce_sum3A_91 = vector.shape_cast %reduce_sum3A_90 : vector<1xf32> to vector<1x1x1xf32>
    %reduce_sum3A_92 = vector.extract %reduce_sum3A_91[0, 0, 0] : f32 from vector<1x1x1xf32>
    %add3A_93 = arith.addf %get3A_86, %reduce_sum3A_92 : f32
    %swap3A_94 = arith.constant 1 : index
    %swap3A_95 = memref.load %arg13[%swap3A_94] : memref<3xf32, #tpu.memory_space<smem>>
    memref.store %add3A_93, %arg13[%swap3A_94] : memref<3xf32, #tpu.memory_space<smem>>
    %get3A_96 = arith.constant 2 : index
    %get3A_97 = memref.load %arg13[%get3A_96] : memref<3xf32, #tpu.memory_space<smem>>
    %mul3A_98 = arith.mulf %select_n3A_57, %select_n3A_57 : vector<2048x32xf32>
    %reduce_sum3A_99 = vector.shape_cast %mul3A_98 : vector<2048x32xf32> to vector<1x2048x32xf32>
    %reduce_sum3A_100 = arith.constant dense<0.000000e+00> : vector<1xf32>
    %reduce_sum3A_101 = vector.multi_reduction <add>, %reduce_sum3A_99, %reduce_sum3A_100 [1, 2] : vector<1x2048x32xf32> to vector<1xf32>
    %reduce_sum3A_102 = vector.shape_cast %reduce_sum3A_101 : vector<1xf32> to vector<1x1x1xf32>
    %reduce_sum3A_103 = vector.extract %reduce_sum3A_102[0, 0, 0] : f32 from vector<1x1x1xf32>
    %add3A_104 = arith.addf %get3A_97, %reduce_sum3A_103 : f32
    %swap3A_105 = arith.constant 2 : index
    %swap3A_106 = memref.load %arg13[%swap3A_105] : memref<3xf32, #tpu.memory_space<smem>>
    memref.store %add3A_104, %arg13[%swap3A_105] : memref<3xf32, #tpu.memory_space<smem>>
    %eq3A_107 = arith.constant 7 : i32
    %eq3A_108 = arith.cmpi eq, %arg0, %eq3A_107 : i32
    %convert_element_type3A_109 = arith.extui %eq3A_108 : i1 to i32
    %cond3A_110 = arith.constant 0 : i32
    %cond3A_111 = arith.cmpi ne, %convert_element_type3A_109, %cond3A_110 : i32
    scf.if %cond3A_111 {
      %get3A_112 = arith.constant 0 : index
      %get3A_113 = memref.load %arg13[%get3A_112] : memref<3xf32, #tpu.memory_space<smem>>
      %div3A = arith.constant 1.638400e+04 : f32
      %div3A_114 = arith.divf %get3A_113, %div3A : f32
      %get3A_115 = arith.constant 1 : index
      %get3A_116 = memref.load %arg13[%get3A_115] : memref<3xf32, #tpu.memory_space<smem>>
      %get3A_117 = arith.constant 2 : index
      %get3A_118 = memref.load %arg13[%get3A_117] : memref<3xf32, #tpu.memory_space<smem>>
      %add3A_119 = arith.addf %get3A_116, %get3A_118 : f32
      %mul3A_120 = arith.constant 1.000000e-03 : f32
      %mul3A_121 = arith.mulf %mul3A_120, %add3A_119 : f32
      %div3A_122 = arith.constant 5.242880e+05 : f32
      %div3A_123 = arith.divf %mul3A_121, %div3A_122 : f32
      %swap3A_124 = arith.constant 0 : index
      %swap3A_125 = arith.constant 0 : index
      %swap3A_126 = memref.load %arg12[%swap3A_124, %swap3A_125] : memref<1x1xf32, #tpu.memory_space<smem>>
      memref.store %div3A_114, %arg12[%swap3A_124, %swap3A_125] : memref<1x1xf32, #tpu.memory_space<smem>>
      %add3A_127 = arith.addf %div3A_114, %div3A_123 : f32
      %swap3A_128 = arith.constant 0 : index
      %swap3A_129 = arith.constant 0 : index
      %swap3A_130 = memref.load %arg11[%swap3A_128, %swap3A_129] : memref<1x1xf32, #tpu.memory_space<smem>>
      memref.store %add3A_127, %arg11[%swap3A_128, %swap3A_129] : memref<1x1xf32, #tpu.memory_space<smem>>
    } else {
    }
    return
  }
  func.func @transform_0(%arg0: i32) -> i32 {
    %c0_i32 = arith.constant 0 : i32
    %c0_i32_0 = arith.constant 0 : i32
    return %c0_i32 : i32
  }
  func.func @transform_1(%arg0: i32) -> (i32, i32) {
    %c0_i32 = arith.constant 0 : i32
    %c0_i32_0 = arith.constant 0 : i32
    return %arg0, %c0_i32 : i32, i32
  }
  func.func @transform_2(%arg0: i32) -> (i32, i32) {
    %c0_i32 = arith.constant 0 : i32
    %c0_i32_0 = arith.constant 0 : i32
    return %arg0, %c0_i32 : i32, i32
  }
  func.func @transform_3(%arg0: i32) -> (i32, i32) {
    %c0_i32 = arith.constant 0 : i32
    %c0_i32_0 = arith.constant 0 : i32
    return %arg0, %c0_i32 : i32, i32
  }
  func.func @transform_4(%arg0: i32) -> (i32, i32) {
    %c0_i32 = arith.constant 0 : i32
    %c0_i32_0 = arith.constant 0 : i32
    return %arg0, %c0_i32 : i32, i32
  }
  func.func @transform_5(%arg0: i32) -> (i32, i32) {
    %c0_i32 = arith.constant 0 : i32
    %c0_i32_0 = arith.constant 0 : i32
    return %arg0, %c0_i32 : i32, i32
  }
  func.func @transform_6(%arg0: i32) -> (i32, i32) {
    %c0_i32 = arith.constant 0 : i32
    %c0_i32_0 = arith.constant 0 : i32
    %c0_i32_1 = arith.constant 0 : i32
    return %c0_i32, %c0_i32_0 : i32, i32
  }
  func.func @transform_7(%arg0: i32) -> (i32, i32) {
    %c0_i32 = arith.constant 0 : i32
    %c0_i32_0 = arith.constant 0 : i32
    %c0_i32_1 = arith.constant 0 : i32
    return %c0_i32, %c0_i32_0 : i32, i32
  }
  func.func @transform_8(%arg0: i32) -> (i32, i32) {
    %c0_i32 = arith.constant 0 : i32
    %c0_i32_0 = arith.constant 0 : i32
    %c0_i32_1 = arith.constant 0 : i32
    return %c0_i32, %c0_i32_0 : i32, i32
  }
  func.func @transform_9(%arg0: i32) -> (i32, i32) {
    %c0_i32 = arith.constant 0 : i32
    %c0_i32_0 = arith.constant 0 : i32
    %c0_i32_1 = arith.constant 0 : i32
    return %c0_i32, %c0_i32_0 : i32, i32
  }
  func.func @transform_10(%arg0: i32) -> (i32, i32) {
    %c0_i32 = arith.constant 0 : i32
    %c0_i32_0 = arith.constant 0 : i32
    %c0_i32_1 = arith.constant 0 : i32
    return %c0_i32, %c0_i32_0 : i32, i32
  }
  func.func @transform_11(%arg0: i32) -> (i32, i32) {
    %c0_i32 = arith.constant 0 : i32
    %c0_i32_0 = arith.constant 0 : i32
    %c0_i32_1 = arith.constant 0 : i32
    return %c0_i32, %c0_i32_0 : i32, i32
  }
}

</mosaic_0001>

<sc_bundles>
// kernel: kernel.4.cloned.1.call-start
scs
__scs_entry_jumppad:
0x0: {  	(pc) =	sbr.rel $0x88, $3  }
0x1: {  	(tag) =	ssettag $0x0;
	lr =	simm.s32 $0x1  }
0x2: {  	[smem:$0x3F95] =	sst lr;
	_ =	strace $0xD0000000  }
0x3: {  	_ = 	snop  }
0x4: {  	_ = 	snop  }
0x5: {  	_ = 	snop  }
0x6: {  	_ = 	snop  }
0x7: {  	_ = 	snop  }
__scs_overlays_trampoline_lowered:
0x8: {  	[smem:$0x3FA4] =	sst s0  }
0x9: {  	[smem:$0x3FA5] =	sst s1  }
0xa: {  	[smem:$0x3FA6] =	sst s2  }
0xb: {  	[smem:$0x3FA7] =	sst s3  }
0xc: {  	[smem:$0x3FA8] =	sst s4  }
0xd: {  	[smem:$0x3FA9] =	sst s5  }
0xe: {  	[smem:$0x3FAA] =	sst s6  }
0xf: {  	[smem:$0x3FAB] =	sst s7  }
0x10: {  	[smem:$0x3FAC] =	sst s8  }
0x11: {  	[smem:$0x3FAD] =	sst s9;
	s0 =	simm.s32 @!p0 $0x0  }
0x12: {  	s1 =	sld [smem:$0x3F93];
	s0 =	simm.s32 @p0 $0x1  }
0x13: {  	[smem:$0x3FAE] =	sst s0;
	s0 =	simm.s32 @!p1 $0x0  }
0x14: {  	s2 =	sld [smem:$0x3F92];
	s0 =	simm.s32 @p1 $0x1  }
0x15: {  	[smem:$0x3FAF] =	sst s0;
	s0 =	simm.s32 @!p2 $0x0  }
0x16: {  	s3 =	sld [smem:$0x3FDB];
	s0 =	simm.s32 @p2 $0x1  }
0x17: {  	s4 =	simm.s32 $0x1BF5;
	[smem:$0x3FB1] =	sst s0  }
0x18: {  	s0 =	sld [smem:$0x3F94];
	_ =	swait.ge [sflag:s4], $0x0  }
0x19: {  	s7 =	sld [smem:$0x3F95]  }
0x1a: {  	s8 =	sadd.s32 $0xFFFFE003, lr  }
0x1b: {  	s9 =	sadd.s32 $0xFFFFFEF7, lr;
	s5 =	simm.s32 $0xFFFFFFFF;
	p2 =	slt.u32 s8, $0xFFFFF086  }
0x1c: {  	p1 =	slt.u32 s9, $0xF7A;
	s5 =	simm.s32 @!p2 $0x0  }
0x1d: {  	s5 =	simm.s32 @p1 $0x1;
	p0 =	seq.s32 s7, s2  }
0x1e: {  	s7 =	smul.u32 @!p0 $0xF7A, s2;
	p2 =	seq.s32 @!p0 s5, $0x0  }
0x1f: {  	s9 =	smul.u32 $0xF7A, s1;
	s8 =	simm.s32 @!p0 $0x1BF5;
	p2 =	por !p2, p0  }
0x20: {  	[sflag:s8] =	ssyncset.s32 @!p0 $0xFFFFF086;
	s6 =	sadd.s32 @!p0 s3, s7;
	s7 =	simm.s32 @!p0 $0x108  }
0x21: {  	s3 =	sadd.s32 s3, s9;
	s6 =	sadd.s32 @!p0 $0x88, s6;
	s7 =	simm.s32 @p2 $0x1082  }
0x22: {  	[simem:s7], [sflag:s8] =	dma.local @!p0 [hbm:s6], $0xF7A  }
0x23: {  	s9 =	sor.u32 $0xD0000000, s2;
	s6 =	simm.s32 $0x108;
	_ =	swait.ge @!p0 [sflag:s8], $0x0  }
0x24: {  	s3 =	sadd.s32 $0x88, s3;
	s6 =	simm.s32 @!p1 $0x1082;
	[sflag:s4] =	ssyncset.s32 $0xFFFFF086  }
0x25: {  	[simem:s6], [sflag:s4] =	dma.local [hbm:s3], $0xF7A  }
0x26: {  	[smem:$0x3F95] =	sst s1;
	(tag) =	ssettag s2;
	_ =	strace s9  }
0x27: {  	s1 =	sld [smem:$0x3FA5]  }
0x28: {  	s2 =	sld [smem:$0x3FA6]  }
0x29: {  	s4 =	sld [smem:$0x3FA8]  }
0x2a: {  	p0 =	seq.s32 s5, $0x0;
	s5 =	sld [smem:$0x3FA9]  }
0x2b: {  	s6 =	sld [smem:$0x3FAA]  }
0x2c: {  	s7 =	sld [smem:$0x3FAB]  }
0x2d: {  	s3 =	simm.s32 $0x108;
	s8 =	sld [smem:$0x3FAC]  }
0x2e: {  	s3 =	simm.s32 @!p0 $0x1082;
	s9 =	sld [smem:$0x3FAD]  }
0x2f: {  	lr =	sadd.s32 s0, s3;
	s0 =	sld [smem:$0x3FA4]  }
0x30: {  	s3 =	sld [smem:$0x3FA7]  }
0x31: {  	[smem:$0x3FB0] =	sst s10  }
0x32: {  	s10 =	sld [smem:$0x3FAE];
	_ =	sdelay $0x3  }
0x33: {  	p0 =	seq.s32 s10, $0x1;
	s10 =	sld [smem:$0x3FB0];
	_ =	sdelay $0x3  }
0x34: {  	[smem:$0x3FB0] =	sst s10  }
0x35: {  	s10 =	sld [smem:$0x3FAF];
	_ =	sdelay $0x3  }
0x36: {  	p1 =	seq.s32 s10, $0x1;
	s10 =	sld [smem:$0x3FB0];
	_ =	sdelay $0x3  }
0x37: {  	[smem:$0x3FB0] =	sst s10  }
0x38: {  	s10 =	sld [smem:$0x3FB1]  }
0x39: {  	_ = 	snop;
	(pc) =	sbr.ind lr, $3  }
0x3a: {  	_ = 	snop  }
0x3b: {  	_ = 	snop  }
0x3c: {  	p2 =	seq.s32 s10, $0x1;
	s10 =	sld [smem:$0x3FB0]  }
0x3d: {  	_ =	shalt  }
0x3e: {  	_ =	shalt  }
0x3f: {  	_ =	shalt  }
0x40: {  	_ =	shalt  }
0x41: {  	_ =	shalt  }
0x42: {  	_ =	shalt  }
0x43: {  	_ =	shalt  }
0x44: {  	_ =	shalt  }
0x45: {  	_ =	shalt  }
0x46: {  	_ =	shalt  }
0x47: {  	_ =	shalt  }
0x48: {  	_ =	shalt  }
0x49: {  	_ =	shalt  }
0x4a: {  	_ =	shalt  }
0x4b: {  	_ =	shalt  }
0x4c: {  	_ =	shalt  }
0x4d: {  	_ =	shalt  }
0x4e: {  	_ =	shalt  }
0x4f: {  	_ =	shalt  }
0x50: {  	_ =	shalt  }
0x51: {  	_ =	shalt  }
0x52: {  	_ =	shalt  }
0x53: {  	_ =	shalt  }
0x54: {  	_ =	shalt  }
0x55: {  	_ =	shalt  }
0x56: {  	_ =	shalt  }
0x57: {  	_ =	shalt  }
0x58: {  	_ =	shalt  }
0x59: {  	_ =	shalt  }
0x5a: {  	_ =	shalt  }
0x5b: {  	_ =	shalt  }
0x5c: {  	_ =	shalt  }
0x5d: {  	_ =	shalt  }
0x5e: {  	_ =	shalt  }
0x5f: {  	_ =	shalt  }
0x60: {  	_ =	shalt  }
0x61: {  	_ =	shalt  }
0x62: {  	_ =	shalt  }
0x63: {  	_ =	shalt  }
0x64: {  	_ =	shalt  }
0x65: {  	_ =	shalt  }
0x66: {  	_ =	shalt  }
0x67: {  	_ =	shalt  }
0x68: {  	_ =	shalt  }
0x69: {  	_ =	shalt  }
0x6a: {  	_ =	shalt  }
0x6b: {  	_ =	shalt  }
0x6c: {  	_ =	shalt  }
0x6d: {  	_ =	shalt  }
0x6e: {  	_ =	shalt  }
0x6f: {  	_ =	shalt  }
0x70: {  	_ =	shalt  }
0x71: {  	_ =	shalt  }
0x72: {  	_ =	shalt  }
0x73: {  	_ =	shalt  }
0x74: {  	_ =	shalt  }
0x75: {  	_ =	shalt  }
0x76: {  	_ =	shalt  }
0x77: {  	_ =	shalt  }
0x78: {  	_ =	shalt  }
0x79: {  	_ =	shalt  }
0x7a: {  	_ =	shalt  }
0x7b: {  	_ =	shalt  }
0x7c: {  	_ =	shalt  }
0x7d: {  	_ =	shalt  }
0x7e: {  	_ =	shalt  }
0x7f: {  	_ =	shalt  }
0x80: {  	_ =	shalt  }
0x81: {  	_ =	shalt  }
0x82: {  	_ =	shalt  }
0x83: {  	_ =	shalt  }
0x84: {  	_ =	shalt  }
0x85: {  	_ =	shalt  }
0x86: {  	_ =	shalt  }
0x87: {  	_ =	shalt  }
.Lfunc_end0:
.L_simem_size_0:
called_computation_lowered:
.L_overlay_start_0:
0x88: {  	s2 =	sld [smem:$0x3FD9]  }
0x89: {  	s3 =	sld [smem:$0x3FFE];
	_ =	sdelay $0x1  }
0x8a: {  	s1 =	srdreg.scid  }
0x8b: {  	s0 =	sand.u32 $0x1, s1  }
0x8c: {  	s17 =	sshll.u32 s0, $0xA;
	s2 =	sadd.s32 s3, s2  }
0x8d: {  	s2 =	sadd.s32 s2, s17  }
0x8e: {  	[smem:$0x3FBC] =	sst s2  }
0x8f: {  	_ = 	snop  }
0x90: {  	s2 =	sld [smem:$0x3FC9]  }
0x91: {  	s18 =	sld [smem:$0x3FC8]  }
0x92: {  	s4 =	sld [smem:$0x3FC4];
	(tm) =	ssettm $0x1  }
0x93: {  	s5 =	sld [smem:$0x3FFB];
	_ =	sdelay $0x3  }
0x94: {  	_ =	strace s5  }
0x95: {  	s5 =	sld [smem:$0x3FFC];
	_ =	sdelay $0x3  }
0x96: {  	_ =	strace s5  }
0x97: {  	s5 =	sld [smem:$0x3FFD];
	_ =	sdelay $0x3  }
0x98: {  	_ =	strace s5  }
0x99: {  	_ =	strace $0x8FFFFFFF  }
0x9a: {  	s19 =	sld [smem:$0x3FDB];
	_ =	sdelay $0x1  }
0x9b: {  	s6 =	simm.s32 $_scs_section_size  }
0x9c: {  	s7 =	simm.s32 $_size__tile_overlayer_lowered;
	s8 =	simm.s32 $_tile_overlayer_lowered  }
0x9d: {  	s22 =	simm.s32 $0x1BFF;
	s21 =	sshll.u32 s8, $0x1;
	s5 =	sadd.s32 s6, s19  }
0x9e: {  	s9 =	simm.s32 $0x0;
	s20 =	sshll.u32 s7, $0x1;
	s7 =	sadd.s32 s21, s5  }
0x9f: {  	[timem:s9], [sflag:s22] =	dma.local [hbm:s7], s20  }
0xa0: {  	_ =	swait.ge [sflag:s22], s20  }
0xa1: {  	s6 =	ssub.s32 $0x0, s20;
	[sflag:s22] =	ssyncset.done $0x0  }
0xa2: {  	[sflag:s22] =	ssyncadd.s32 s6;
	_ =	sdelay $0x1  }
0xa3: {  	s23 =	simm.s32 $0x1B8B  }
0xa4: {  	_ =	swait.ge [sflag:s23], $0x1  }
0xa5: {  	[sflag:s23] =	ssyncset.done $0x0  }
0xa6: {  	s25 =	simm.s32 $0x1B8E;
	s24 =	sld [smem:$0x3FFE];
	[sflag:s23] =	ssyncadd.s32 $0xFFFFFFFF  }
0xa7: {  	s26 =	simm.s32 $execute0_lowered;
	[smem:$0x3FD2] =	sst s25  }
0xa8: {  	s7 =	sshll.u32 s26, $0x1;
	_ =	strace $0x80000046;
	[dreg:$0x1] =	wrdreg $0xFFFFFFFF  }
0xa9: {  	s28 =	simm.s32 $_size_execute0_lowered;
	s5 =	sadd.s32 s5, s7;
	[dreg:$0x0] =	wrdreg $0x0  }
0xaa: {  	s7 =	sshll.u32 s28, $0x1;
	[dreg:$0x2] =	wrdreg s5  }
0xab: {  	[dreg:$0x3] =	wrdreg s7  }
0xac: {  	[dreg:$0x4] =	wrdreg $0xC0  }
0xad: {  	_ =	task [dreg:s9], $0x5FFFF  }
0xae: {  	[dreg:$0x1] =	wrdreg $0xFFFFFFFF  }
0xaf: {  	[dreg:$0x0] =	wrdreg $0x60  }
0xb0: {  	[dreg:$0x2] =	wrdreg s2  }
0xb1: {  	[dreg:$0x3] =	wrdreg s18  }
0xb2: {  	[dreg:$0x4] =	wrdreg s24  }
0xb3: {  	[dreg:$0x5] =	wrdreg s4  }
0xb4: {  	[dreg:$0x6] =	wrdreg $0x9  }
0xb5: {  	_ =	task.clear_ibuf [dreg:s9], $0x7FFFF;
	_ =	strace $0x90000046  }
0xb6: {  	s29 =	simm.s32 $0x9;
	_ =	strace $0x80000048  }
0xb7: {  	_ =	swait.ge [sflag:s29], $0x1  }
0xb8: {  	[sflag:s29] =	ssyncadd.s32 $0xFFFFFFFF  }
0xb9: {  	_ =	strace $0x90000048  }
0xba: {  	_ =	sfence  }
0xbb: {  	s30 =	sld [smem:$0x0];
	_ =	sdelay $0x2  }
0xbc: {  	s31 =	sshll.u32 s1, $0xD;
	s1 =	sshrl.u32 s1, $0x2  }
0xbd: {  	s3 =	sand.u32 $0x4000, s31;
	s1 =	sadd.s32 s1, s30  }
0xbe: {  	s0 =	sor.u32 s3, s0;
	s1 =	sshll.u32 s1, $0x11  }
0xbf: {  	s0 =	sor.u32 s1, s0  }
0xc0: {  	s0 =	sadd.s32 $0x8F2B, s0  }
0xc1: {  	[sflag:s0] =	ssyncadd.remote.s32 $0x1  }
0xc2: {  	_ =	sfence.sel $0xFFFF  }
0xc3: {  	[dreg:$0x0] =	wrdreg $0xFFFFFFFF;
	(pc) =	sbr.abs _section_cstart, $3  }
0xc4: {  	[dreg:$0x1] =	wrdreg $0xFFFFFFFF  }
0xc5: {  	_ =	task.clear_ibuf [dreg:s9], $0x2FFFF;
	_ =	strace $0x9FFFFFFF  }
0xc6: {  	(tm) =	ssettm $0x7FFFFFFF  }
0xc7: {  	_ =	shalt  }
tec
execute0_lowered:
.L_overlay_start_1:
0x0: {  	(tag) =	ssettag $0x1  }
0x1: {  	s0 =	rddreg [dreg:$0x0]  }
0x2: {  	s1 =	rddreg [dreg:$0x1]  }
0x3: {  	s3 =	rddreg [dreg:$0x2]  }
0x4: {  	s8 =	rddreg [dreg:$0x3]  }
0x5: {  	s2 =	srdreg.scid;
	s5 =	stileid.u32;
	s14 =	simm.s32 $0x200  }
0x6: {  	s13 =	simm.s32 $0x80;
	s15 =	simm.s32 $0x280;
	s18 =	simm.s32 $0x5400  }
0x7: {  	s19 =	simm.s32 $0x8480;
	s20 =	simm.s32 $0x8680;
	s16 =	simm.s32 $0x100  }
0x8: {  	s17 =	simm.s32 $0x300;
	s21 =	simm.s32 $0x180;
	p0 =	por $0x0, $0x0  }
0x9: {  	s28 =	simm.s32 $0x3400;
	s29 =	simm.s32 $0x7400;
	s30 =	simm.s32 $0x8580  }
0xa: {  	s31 =	simm.s32 $0x8780;
	s4 =	sand.u32 $0x1, s2;
	s2 =	simm.s32 $0x0  }
0xb: {  	s5 =	sshll.u32 s5, $0x3;
	s10 =	sadd.s32 $0x57D400, s3;
	s11 =	sadd.s32 $0x6DC400, s3  }
0xc: {  	s12 =	sadd.s32 $0x1800, s3;
	s6 =	sshll.u32 s4, $0x2;
	[smem:$0x7FF] =	sst s2  }
0xd: {  	s4 =	ssub.s32 $0x2, s4;
	s5 =	sor.u32 s6, s5;
	_ =	strace $0x80000047  }
0xe: {  	s26 =	sshrl.u32 s4, $0x1;
	s6 =	sshll.u32 s5, $0x4;
	s5 =	sshll.u32 s5, $0x9  }
0xf: {  	s4 =	ssub.s32 s4, s26;
	s26 =	simm.s32 $0x1400;
	s0 =	sadd.s32 s0, s6  }
0x10: {  	s5 =	sadd.s32 s5, s3;
	s22 =	sadd.s32 s1, s6;
	s23 =	sadd.s32 s6, s3  }
0x11: {  	s9 =	smax.u32 s4, $0x1;
	s3 =	simm.s32 $0x2;
	[dreg:$0xb] =	wrdreg s26  }
0x12: {  	s4 =	simm.s32 $0x8600;
	s26 =	simm.s32 $0x380;
	[dreg:$0x5] =	wrdreg s0  }
0x13: {  	[dreg:$0x6] =	wrdreg s22;
	s24 =	sadd.s32 $0xB800, s5;
	s25 =	sadd.s32 $0x1B800, s5  }
0x14: {  	s6 =	sadd.s32 $0xA800, s23;
	s7 =	sadd.s32 $0xB000, s23;
	p1 =	sne.s32 s9, $0x1  }
.Ltmp0:
0x15: {  	s5 =	simm.s32 $0x8400;
	[dreg:$0x7] =	wrdreg s24;
	(pc) =	sbr.rel @!p1 .LBB2_3-.Ltmp0, $4  }
0x16: {  	s22 =	simm.s32 $0x2400;
	s23 =	simm.s32 $0x6400;
	[dreg:$0x8] =	wrdreg s25  }
0x17: {  	s0 =	sadd.s32 $0xFFFFFFFF, s9;
	s9 =	simm.s32 $0x1;
	[dreg:$0x9] =	wrdreg s6  }
0x18: {  	[dreg:$0xa] =	wrdreg s7;
	s7 =	simm.s32 $0x400;
	s6 =	simm.s32 $0x4400  }
0x19: {  	s24 =	simm.s32 $0x8500;
	s25 =	simm.s32 $0x8700;
	s1 =	rddreg [dreg:$0x5]  }
0x1a: {  	[tilespmem:s2], [sflag:$0x2] =	stream.linear.gather [hbm4b:s1+s2], $0x200, $0x38;
	[tilespmem:$0x8800] =	vst v63  }
0x1b: {  	_ =	swait.ge [sflag:s3], $0x200  }
0x1c: {  	[sflag:s3] =	ssyncset.done $0x0  }
0x1d: {  	s1 =	rddreg [dreg:$0x6];
	[sflag:s3] =	ssyncadd.s32 $0xFFFFFE00  }
0x1e: {  	[tilespmem:s14], [sflag:$0x2] =	stream.linear.gather [hbm4b:s1+s2], $0x200, $0x38;
	[tilespmem:$0x8800] =	vst v63  }
0x1f: {  	_ =	swait.ge [sflag:s3], $0x200  }
0x20: {  	[sflag:s3] =	ssyncset.done $0x0  }
0x21: {  	[sflag:s3] =	ssyncadd.s32 $0xFFFFFE00  }
0x22: {  	[tilespmem:s7], [sflag:$0x1] =	stream.indirect.gather [hbm4b:s10+s13], $0x20, s2, s13, $0xb8;
	[tilespmem:$0x8800] =	vst v63  }
0x23: {  	_ = 	snop  }
0x24: {  	[tilespmem:s6], [sflag:$0x1] =	stream.indirect.gather [hbm4b:s11+s13], $0x20, s14, s13, $0xb8;
	[tilespmem:$0x8800] =	vst v63  }
0x25: {  	_ = 	snop  }
0x26: {  	[tilespmem:s5], [sflag:$0x1] =	stream.indirect.gather [hbm4b:s8+s13], $0x1, s2, s13, $0xb8;
	[tilespmem:$0x8800] =	vst v63  }
0x27: {  	_ = 	snop  }
0x28: {  	[tilespmem:s4], [sflag:$0x1] =	stream.indirect.gather [hbm4b:s12+s13], $0x1, s14, s13, $0xb8;
	[tilespmem:$0x8800] =	vst v63  }
0x29: {  	s1 =	rddreg [dreg:$0xb]  }
0x2a: {  	[tilespmem:s1], [sflag:$0x1] =	stream.indirect.gather [hbm4b:s10+s13], $0x20, s13, s13, $0xb8;
	[tilespmem:$0x8800] =	vst v63  }
0x2b: {  	_ = 	snop  }
0x2c: {  	[tilespmem:s18], [sflag:$0x1] =	stream.indirect.gather [hbm4b:s11+s13], $0x20, s15, s13, $0xb8;
	[tilespmem:$0x8800] =	vst v63  }
0x2d: {  	_ = 	snop  }
0x2e: {  	[tilespmem:s19], [sflag:$0x1] =	stream.indirect.gather [hbm4b:s8+s13], $0x1, s13, s13, $0xb8;
	[tilespmem:$0x8800] =	vst v63  }
0x2f: {  	_ = 	snop  }
0x30: {  	[tilespmem:s20], [sflag:$0x1] =	stream.indirect.gather [hbm4b:s12+s13], $0x1, s15, s13, $0xb8;
	[tilespmem:$0x8800] =	vst v63  }
0x31: {  	_ = 	snop  }
0x32: {  	[tilespmem:s22], [sflag:$0x1] =	stream.indirect.gather [hbm4b:s10+s13], $0x20, s16, s13, $0xb8;
	[tilespmem:$0x8800] =	vst v63  }
0x33: {  	_ = 	snop  }
0x34: {  	[tilespmem:s23], [sflag:$0x1] =	stream.indirect.gather [hbm4b:s11+s13], $0x20, s17, s13, $0xb8;
	[tilespmem:$0x8800] =	vst v63  }
0x35: {  	_ = 	snop  }
0x36: {  	[tilespmem:s24], [sflag:$0x1] =	stream.indirect.gather [hbm4b:s8+s13], $0x1, s16, s13, $0xb8;
	[tilespmem:$0x8800] =	vst v63  }
0x37: {  	_ = 	snop  }
0x38: {  	[tilespmem:s25], [sflag:$0x1] =	stream.indirect.gather [hbm4b:s12+s13], $0x1, s17, s13, $0xb8;
	[tilespmem:$0x8800] =	vst v63  }
0x39: {  	_ = 	snop  }
0x3a: {  	[tilespmem:s28], [sflag:$0x1] =	stream.indirect.gather [hbm4b:s10+s13], $0x20, s21, s13, $0xb8;
	[tilespmem:$0x8800] =	vst v63  }
0x3b: {  	_ = 	snop  }
0x3c: {  	[tilespmem:s29], [sflag:$0x1] =	stream.indirect.gather [hbm4b:s11+s13], $0x20, s26, s13, $0xb8;
	[tilespmem:$0x8800] =	vst v63  }
0x3d: {  	_ = 	snop  }
0x3e: {  	[tilespmem:s30], [sflag:$0x1] =	stream.indirect.gather [hbm4b:s8+s13], $0x1, s21, s13, $0xb8;
	[tilespmem:$0x8800] =	vst v63  }
0x3f: {  	_ = 	snop  }
0x40: {  	[tilespmem:s31], [sflag:$0x1] =	stream.indirect.gather [hbm4b:s12+s13], $0x1, s26, s13, $0xb8;
	[tilespmem:$0x8800] =	vst v63  }
0x41: {  	_ =	swait.ge [sflag:s9], $0x1000  }
0x42: {  	[sflag:s9] =	ssyncset.done $0x0  }
0x43: {  	[sflag:s9] =	ssyncadd.s32 $0xFFFFF000  }
0x44: {  	_ =	swait.ge [sflag:s9], $0x1000  }
0x45: {  	[sflag:s9] =	ssyncset.done $0x0  }
0x46: {  	[sflag:s9] =	ssyncadd.s32 $0xFFFFF000  }
0x47: {  	_ =	swait.ge [sflag:s9], $0x80  }
0x48: {  	[sflag:s9] =	ssyncset.done $0x0  }
0x49: {  	[sflag:s9] =	ssyncadd.s32 $0xFFFFFF80  }
0x4a: {  	_ =	swait.ge [sflag:s9], $0x80  }
0x4b: {  	[sflag:s9] =	ssyncset.done $0x0  }
0x4c: {  	[sflag:s9] =	ssyncadd.s32 $0xFFFFFF80  }
0x4d: {  	_ =	swait.ge [sflag:s9], $0x1000  }
0x4e: {  	[sflag:s9] =	ssyncset.done $0x0  }
0x4f: {  	[sflag:s9] =	ssyncadd.s32 $0xFFFFF000  }
0x50: {  	_ =	swait.ge [sflag:s9], $0x1000  }
0x51: {  	[sflag:s9] =	ssyncset.done $0x0  }
0x52: {  	[sflag:s9] =	ssyncadd.s32 $0xFFFFF000  }
0x53: {  	_ =	swait.ge [sflag:s9], $0x80  }
0x54: {  	[sflag:s9] =	ssyncset.done $0x0  }
0x55: {  	[sflag:s9] =	ssyncadd.s32 $0xFFFFFF80  }
0x56: {  	_ =	swait.ge [sflag:s9], $0x80  }
0x57: {  	[sflag:s9] =	ssyncset.done $0x0  }
0x58: {  	[sflag:s9] =	ssyncadd.s32 $0xFFFFFF80  }
0x59: {  	_ =	swait.ge [sflag:s9], $0x1000  }
0x5a: {  	[sflag:s9] =	ssyncset.done $0x0  }
0x5b: {  	[sflag:s9] =	ssyncadd.s32 $0xFFFFF000  }
0x5c: {  	_ =	swait.ge [sflag:s9], $0x1000  }
0x5d: {  	[sflag:s9] =	ssyncset.done $0x0  }
0x5e: {  	[sflag:s9] =	ssyncadd.s32 $0xFFFFF000  }
0x5f: {  	_ =	swait.ge [sflag:s9], $0x80  }
0x60: {  	[sflag:s9] =	ssyncset.done $0x0  }
0x61: {  	[sflag:s9] =	ssyncadd.s32 $0xFFFFFF80  }
0x62: {  	_ =	swait.ge [sflag:s9], $0x80  }
0x63: {  	[sflag:s9] =	ssyncset.done $0x0  }
0x64: {  	[sflag:s9] =	ssyncadd.s32 $0xFFFFFF80  }
0x65: {  	_ =	swait.ge [sflag:s9], $0x1000  }
0x66: {  	[sflag:s9] =	ssyncset.done $0x0  }
0x67: {  	[sflag:s9] =	ssyncadd.s32 $0xFFFFF000  }
0x68: {  	_ =	swait.ge [sflag:s9], $0x1000  }
0x69: {  	[sflag:s9] =	ssyncset.done $0x0  }
0x6a: {  	[sflag:s9] =	ssyncadd.s32 $0xFFFFF000  }
0x6b: {  	_ =	swait.ge [sflag:s9], $0x80  }
0x6c: {  	[sflag:s9] =	ssyncset.done $0x0  }
0x6d: {  	[sflag:s9] =	ssyncadd.s32 $0xFFFFFF80  }
0x6e: {  	_ =	swait.ge [sflag:s9], $0x80  }
0x6f: {  	[sflag:s9] =	ssyncset.done $0x0  }
0x70: {  	s1 =	rddreg [dreg:$0x7];
	[sflag:s9] =	ssyncadd.s32 $0xFFFFFF80  }
0x71: {  	[hbm4b:s1+s2] =	stream.linear.scatter [tilespmem:s7], [sflag:$0x2], $0x4000, $0x38;
	[tilespmem:$0x8800] =	vst v63  }
0x72: {  	_ =	swait.ge [sflag:s3], $0x4000  }
0x73: {  	[sflag:s3] =	ssyncset.done $0x0  }
0x74: {  	s1 =	rddreg [dreg:$0x8];
	[sflag:s3] =	ssyncadd.s32 $0xFFFFC000  }
0x75: {  	[hbm4b:s1+s2] =	stream.linear.scatter [tilespmem:s6], [sflag:$0x2], $0x4000, $0x38;
	[tilespmem:$0x8800] =	vst v63  }
0x76: {  	_ =	swait.ge [sflag:s3], $0x4000  }
0x77: {  	[sflag:s3] =	ssyncset.done $0x0  }
0x78: {  	s1 =	rddreg [dreg:$0x9];
	[sflag:s3] =	ssyncadd.s32 $0xFFFFC000  }
0x79: {  	[hbm4b:s1+s2] =	stream.linear.scatter [tilespmem:s5], [sflag:$0x2], $0x200, $0x38;
	[tilespmem:$0x8800] =	vst v63  }
0x7a: {  	p1 =	sne.s32 s0, $0x1;
	_ =	swait.ge [sflag:s3], $0x200  }
.Ltmp1:
0x7b: {  	[sflag:s3] =	ssyncset.done $0x0;
	(pc) =	sbr.rel @!p1 .LBB2_3-.Ltmp1, $4  }
0x7c: {  	s1 =	rddreg [dreg:$0xa];
	[sflag:s3] =	ssyncadd.s32 $0xFFFFFE00  }
0x7d: {  	[hbm4b:s1+s2] =	stream.linear.scatter [tilespmem:s4], [sflag:$0x2], $0x200, $0x38;
	[tilespmem:$0x8800] =	vst v63  }
0x7e: {  	s0 =	sadd.s32 $0xFFFFFFFF, s0;
	_ =	swait.ge [sflag:s3], $0x200  }
0x7f: {  	p0 =	por $0x1, $0x1;
	s1 =	rddreg [dreg:$0x5];
	[sflag:s3] =	ssyncset.done $0x0  }
.LBB2_2:
0x80: {  	[sflag:s3] =	ssyncadd.s32 $0xFFFFFE00  }
0x81: {  	[tilespmem:s2], [sflag:$0x2] =	stream.linear.gather [hbm4b:s1+s2], $0x200, $0x38;
	[tilespmem:$0x8800] =	vst v63  }
0x82: {  	_ =	swait.ge [sflag:s3], $0x200  }
0x83: {  	[sflag:s3] =	ssyncset.done $0x0  }
0x84: {  	s1 =	rddreg [dreg:$0x6];
	[sflag:s3] =	ssyncadd.s32 $0xFFFFFE00  }
0x85: {  	[tilespmem:s14], [sflag:$0x2] =	stream.linear.gather [hbm4b:s1+s2], $0x200, $0x38;
	[tilespmem:$0x8800] =	vst v63  }
0x86: {  	_ =	swait.ge [sflag:s3], $0x200  }
0x87: {  	[sflag:s3] =	ssyncset.done $0x0  }
0x88: {  	[sflag:s3] =	ssyncadd.s32 $0xFFFFFE00  }
0x89: {  	[tilespmem:s7], [sflag:$0x1] =	stream.indirect.gather [hbm4b:s10+s13], $0x20, s2, s13, $0xb8;
	[tilespmem:$0x8800] =	vst v63  }
0x8a: {  	_ = 	snop  }
0x8b: {  	[tilespmem:s6], [sflag:$0x1] =	stream.indirect.gather [hbm4b:s11+s13], $0x20, s14, s13, $0xb8;
	[tilespmem:$0x8800] =	vst v63  }
0x8c: {  	_ = 	snop  }
0x8d: {  	[tilespmem:s5], [sflag:$0x1] =	stream.indirect.gather [hbm4b:s8+s13], $0x1, s2, s13, $0xb8;
	[tilespmem:$0x8800] =	vst v63  }
0x8e: {  	_ = 	snop  }
0x8f: {  	[tilespmem:s4], [sflag:$0x1] =	stream.indirect.gather [hbm4b:s12+s13], $0x1, s14, s13, $0xb8;
	[tilespmem:$0x8800] =	vst v63  }
0x90: {  	s1 =	rddreg [dreg:$0xb]  }
0x91: {  	[tilespmem:s1], [sflag:$0x1] =	stream.indirect.gather [hbm4b:s10+s13], $0x20, s13, s13, $0xb8;
	[tilespmem:$0x8800] =	vst v63  }
0x92: {  	_ = 	snop  }
0x93: {  	[tilespmem:s18], [sflag:$0x1] =	stream.indirect.gather [hbm4b:s11+s13], $0x20, s15, s13, $0xb8;
	[tilespmem:$0x8800] =	vst v63  }
0x94: {  	_ = 	snop  }
0x95: {  	[tilespmem:s19], [sflag:$0x1] =	stream.indirect.gather [hbm4b:s8+s13], $0x1, s13, s13, $0xb8;
	[tilespmem:$0x8800] =	vst v63  }
0x96: {  	_ = 	snop  }
0x97: {  	[tilespmem:s20], [sflag:$0x1] =	stream.indirect.gather [hbm4b:s12+s13], $0x1, s15, s13, $0xb8;
	[tilespmem:$0x8800] =	vst v63  }
0x98: {  	_ = 	snop  }
0x99: {  	[tilespmem:s22], [sflag:$0x1] =	stream.indirect.gather [hbm4b:s10+s13], $0x20, s16, s13, $0xb8;
	[tilespmem:$0x8800] =	vst v63  }
0x9a: {  	_ = 	snop  }
0x9b: {  	[tilespmem:s23], [sflag:$0x1] =	stream.indirect.gather [hbm4b:s11+s13], $0x20, s17, s13, $0xb8;
	[tilespmem:$0x8800] =	vst v63  }
0x9c: {  	_ = 	snop  }
0x9d: {  	[tilespmem:s24], [sflag:$0x1] =	stream.indirect.gather [hbm4b:s8+s13], $0x1, s16, s13, $0xb8;
	[tilespmem:$0x8800] =	vst v63  }
0x9e: {  	_ = 	snop  }
0x9f: {  	[tilespmem:s25], [sflag:$0x1] =	stream.indirect.gather [hbm4b:s12+s13], $0x1, s17, s13, $0xb8;
	[tilespmem:$0x8800] =	vst v63  }
0xa0: {  	_ = 	snop  }
0xa1: {  	[tilespmem:s28], [sflag:$0x1] =	stream.indirect.gather [hbm4b:s10+s13], $0x20, s21, s13, $0xb8;
	[tilespmem:$0x8800] =	vst v63  }
0xa2: {  	_ = 	snop  }
0xa3: {  	[tilespmem:s29], [sflag:$0x1] =	stream.indirect.gather [hbm4b:s11+s13], $0x20, s26, s13, $0xb8;
	[tilespmem:$0x8800] =	vst v63  }
0xa4: {  	_ = 	snop  }
0xa5: {  	[tilespmem:s30], [sflag:$0x1] =	stream.indirect.gather [hbm4b:s8+s13], $0x1, s21, s13, $0xb8;
	[tilespmem:$0x8800] =	vst v63  }
0xa6: {  	_ = 	snop  }
0xa7: {  	[tilespmem:s31], [sflag:$0x1] =	stream.indirect.gather [hbm4b:s12+s13], $0x1, s26, s13, $0xb8;
	[tilespmem:$0x8800] =	vst v63  }
0xa8: {  	_ =	swait.ge [sflag:s9], $0x1000  }
0xa9: {  	[sflag:s9] =	ssyncset.done $0x0  }
0xaa: {  	[sflag:s9] =	ssyncadd.s32 $0xFFFFF000  }
0xab: {  	_ =	swait.ge [sflag:s9], $0x1000  }
0xac: {  	[sflag:s9] =	ssyncset.done $0x0  }
0xad: {  	[sflag:s9] =	ssyncadd.s32 $0xFFFFF000  }
0xae: {  	_ =	swait.ge [sflag:s9], $0x80  }
0xaf: {  	[sflag:s9] =	ssyncset.done $0x0  }
0xb0: {  	[sflag:s9] =	ssyncadd.s32 $0xFFFFFF80  }
0xb1: {  	_ =	swait.ge [sflag:s9], $0x80  }
0xb2: {  	[sflag:s9] =	ssyncset.done $0x0  }
0xb3: {  	[sflag:s9] =	ssyncadd.s32 $0xFFFFFF80  }
0xb4: {  	_ =	swait.ge [sflag:s9], $0x1000  }
0xb5: {  	[sflag:s9] =	ssyncset.done $0x0  }
0xb6: {  	[sflag:s9] =	ssyncadd.s32 $0xFFFFF000  }
0xb7: {  	_ =	swait.ge [sflag:s9], $0x1000  }
0xb8: {  	[sflag:s9] =	ssyncset.done $0x0  }
0xb9: {  	[sflag:s9] =	ssyncadd.s32 $0xFFFFF000  }
0xba: {  	_ =	swait.ge [sflag:s9], $0x80  }
0xbb: {  	[sflag:s9] =	ssyncset.done $0x0  }
0xbc: {  	[sflag:s9] =	ssyncadd.s32 $0xFFFFFF80  }
0xbd: {  	_ =	swait.ge [sflag:s9], $0x80  }
0xbe: {  	[sflag:s9] =	ssyncset.done $0x0  }
0xbf: {  	[sflag:s9] =	ssyncadd.s32 $0xFFFFFF80  }
0xc0: {  	_ =	swait.ge [sflag:s9], $0x1000  }
0xc1: {  	[sflag:s9] =	ssyncset.done $0x0  }
0xc2: {  	[sflag:s9] =	ssyncadd.s32 $0xFFFFF000  }
0xc3: {  	_ =	swait.ge [sflag:s9], $0x1000  }
0xc4: {  	[sflag:s9] =	ssyncset.done $0x0  }
0xc5: {  	[sflag:s9] =	ssyncadd.s32 $0xFFFFF000  }
0xc6: {  	_ =	swait.ge [sflag:s9], $0x80  }
0xc7: {  	[sflag:s9] =	ssyncset.done $0x0  }
0xc8: {  	[sflag:s9] =	ssyncadd.s32 $0xFFFFFF80  }
0xc9: {  	_ =	swait.ge [sflag:s9], $0x80  }
0xca: {  	[sflag:s9] =	ssyncset.done $0x0  }
0xcb: {  	[sflag:s9] =	ssyncadd.s32 $0xFFFFFF80  }
0xcc: {  	_ =	swait.ge [sflag:s9], $0x1000  }
0xcd: {  	[sflag:s9] =	ssyncset.done $0x0  }
0xce: {  	[sflag:s9] =	ssyncadd.s32 $0xFFFFF000  }
0xcf: {  	_ =	swait.ge [sflag:s9], $0x1000  }
0xd0: {  	[sflag:s9] =	ssyncset.done $0x0  }
0xd1: {  	[sflag:s9] =	ssyncadd.s32 $0xFFFFF000  }
0xd2: {  	_ =	swait.ge [sflag:s9], $0x80  }
0xd3: {  	[sflag:s9] =	ssyncset.done $0x0  }
0xd4: {  	[sflag:s9] =	ssyncadd.s32 $0xFFFFFF80  }
0xd5: {  	_ =	swait.ge [sflag:s9], $0x80  }
0xd6: {  	[sflag:s9] =	ssyncset.done $0x0  }
0xd7: {  	s1 =	rddreg [dreg:$0x7];
	[sflag:s9] =	ssyncadd.s32 $0xFFFFFF80  }
0xd8: {  	[hbm4b:s1+s2] =	stream.linear.scatter [tilespmem:s7], [sflag:$0x2], $0x4000, $0x38;
	[tilespmem:$0x8800] =	vst v63  }
0xd9: {  	_ =	swait.ge [sflag:s3], $0x4000  }
0xda: {  	[sflag:s3] =	ssyncset.done $0x0  }
0xdb: {  	s1 =	rddreg [dreg:$0x8];
	[sflag:s3] =	ssyncadd.s32 $0xFFFFC000  }
0xdc: {  	[hbm4b:s1+s2] =	stream.linear.scatter [tilespmem:s6], [sflag:$0x2], $0x4000, $0x38;
	[tilespmem:$0x8800] =	vst v63  }
0xdd: {  	_ =	swait.ge [sflag:s3], $0x4000  }
0xde: {  	[sflag:s3] =	ssyncset.done $0x0  }
0xdf: {  	s1 =	rddreg [dreg:$0x9];
	[sflag:s3] =	ssyncadd.s32 $0xFFFFC000  }
0xe0: {  	[hbm4b:s1+s2] =	stream.linear.scatter [tilespmem:s5], [sflag:$0x2], $0x200, $0x38;
	[tilespmem:$0x8800] =	vst v63  }
0xe1: {  	p1 =	sne.s32 s0, $0x1;
	_ =	swait.ge [sflag:s3], $0x200  }
.Ltmp2:
0xe2: {  	[sflag:s3] =	ssyncset.done $0x0;
	(pc) =	sbr.rel @p1 .LBB2_2-.Ltmp2, $4  }
0xe3: {  	s1 =	rddreg [dreg:$0xa];
	[sflag:s3] =	ssyncadd.s32 $0xFFFFFE00  }
0xe4: {  	[hbm4b:s1+s2] =	stream.linear.scatter [tilespmem:s4], [sflag:$0x2], $0x200, $0x38;
	[tilespmem:$0x8800] =	vst v63  }
0xe5: {  	_ =	swait.ge [sflag:s3], $0x200  }
0xe6: {  	s0 =	sadd.s32 $0xFFFFFFFF, s0;
	s1 =	rddreg [dreg:$0x5];
	[sflag:s3] =	ssyncset.done $0x0  }
.LBB2_3:
0xe7: {  	[sflag:s3] =	ssyncadd.s32 @p0 $0xFFFFFE00  }
0xe8: {  	[tilespmem:s2], [sflag:$0x2] =	stream.linear.gather [hbm4b:s1+s2], $0x200, $0x38;
	[tilespmem:$0x8800] =	vst v63  }
0xe9: {  	_ =	swait.ge [sflag:s3], $0x200  }
0xea: {  	[sflag:s3] =	ssyncset.done $0x0  }
0xeb: {  	s0 =	rddreg [dreg:$0x6];
	[sflag:s3] =	ssyncadd.s32 $0xFFFFFE00  }
0xec: {  	[tilespmem:s14], [sflag:$0x2] =	stream.linear.gather [hbm4b:s0+s2], $0x200, $0x38;
	[tilespmem:$0x8800] =	vst v63  }
0xed: {  	_ =	swait.ge [sflag:s3], $0x200  }
0xee: {  	[sflag:s3] =	ssyncset.done $0x0  }
0xef: {  	[sflag:s3] =	ssyncadd.s32 $0xFFFFFE00  }
0xf0: {  	[tilespmem:s7], [sflag:$0x1] =	stream.indirect.gather [hbm4b:s10+s13], $0x20, s2, s13, $0xb8;
	[tilespmem:$0x8800] =	vst v63  }
0xf1: {  	_ = 	snop  }
0xf2: {  	[tilespmem:s6], [sflag:$0x1] =	stream.indirect.gather [hbm4b:s11+s13], $0x20, s14, s13, $0xb8;
	[tilespmem:$0x8800] =	vst v63  }
0xf3: {  	_ = 	snop  }
0xf4: {  	[tilespmem:s5], [sflag:$0x1] =	stream.indirect.gather [hbm4b:s8+s13], $0x1, s2, s13, $0xb8;
	[tilespmem:$0x8800] =	vst v63  }
0xf5: {  	_ = 	snop  }
0xf6: {  	[tilespmem:s4], [sflag:$0x1] =	stream.indirect.gather [hbm4b:s12+s13], $0x1, s14, s13, $0xb8;
	[tilespmem:$0x8800] =	vst v63  }
0xf7: {  	s1 =	rddreg [dreg:$0xb]  }
0xf8: {  	[tilespmem:s1], [sflag:$0x1] =	stream.indirect.gather [hbm4b:s10+s13], $0x20, s13, s13, $0xb8;
	[tilespmem:$0x8800] =	vst v63  }
0xf9: {  	_ = 	snop  }
0xfa: {  	[tilespmem:s18], [sflag:$0x1] =	stream.indirect.gather [hbm4b:s11+s13], $0x20, s15, s13, $0xb8;
	[tilespmem:$0x8800] =	vst v63  }
0xfb: {  	_ = 	snop  }
0xfc: {  	[tilespmem:s19], [sflag:$0x1] =	stream.indirect.gather [hbm4b:s8+s13], $0x1, s13, s13, $0xb8;
	[tilespmem:$0x8800] =	vst v63  }
0xfd: {  	_ = 	snop  }
0xfe: {  	[tilespmem:s20], [sflag:$0x1] =	stream.indirect.gather [hbm4b:s12+s13], $0x1, s15, s13, $0xb8;
	[tilespmem:$0x8800] =	vst v63  }
0xff: {  	_ = 	snop  }
0x100: {  	[tilespmem:s22], [sflag:$0x1] =	stream.indirect.gather [hbm4b:s10+s13], $0x20, s16, s13, $0xb8;
	[tilespmem:$0x8800] =	vst v63  }
0x101: {  	_ = 	snop  }
0x102: {  	[tilespmem:s23], [sflag:$0x1] =	stream.indirect.gather [hbm4b:s11+s13], $0x20, s17, s13, $0xb8;
	[tilespmem:$0x8800] =	vst v63  }
0x103: {  	_ = 	snop  }
0x104: {  	[tilespmem:s24], [sflag:$0x1] =	stream.indirect.gather [hbm4b:s8+s13], $0x1, s16, s13, $0xb8;
	[tilespmem:$0x8800] =	vst v63  }
0x105: {  	_ = 	snop  }
0x106: {  	[tilespmem:s25], [sflag:$0x1] =	stream.indirect.gather [hbm4b:s12+s13], $0x1, s17, s13, $0xb8;
	[tilespmem:$0x8800] =	vst v63  }
0x107: {  	_ = 	snop  }
0x108: {  	[tilespmem:s28], [sflag:$0x1] =	stream.indirect.gather [hbm4b:s10+s13], $0x20, s21, s13, $0xb8;
	[tilespmem:$0x8800] =	vst v63  }
0x109: {  	_ = 	snop  }
0x10a: {  	[tilespmem:s29], [sflag:$0x1] =	stream.indirect.gather [hbm4b:s11+s13], $0x20, s26, s13, $0xb8;
	[tilespmem:$0x8800] =	vst v63  }
0x10b: {  	_ = 	snop  }
0x10c: {  	[tilespmem:s30], [sflag:$0x1] =	stream.indirect.gather [hbm4b:s8+s13], $0x1, s21, s13, $0xb8;
	[tilespmem:$0x8800] =	vst v63  }
0x10d: {  	_ = 	snop  }
0x10e: {  	[tilespmem:s31], [sflag:$0x1] =	stream.indirect.gather [hbm4b:s12+s13], $0x1, s26, s13, $0xb8;
	[tilespmem:$0x8800] =	vst v63  }
0x10f: {  	_ =	swait.ge [sflag:s9], $0x1000  }
0x110: {  	[sflag:s9] =	ssyncset.done $0x0  }
0x111: {  	[sflag:s9] =	ssyncadd.s32 $0xFFFFF000  }
0x112: {  	_ =	swait.ge [sflag:s9], $0x1000  }
0x113: {  	[sflag:s9] =	ssyncset.done $0x0  }
0x114: {  	[sflag:s9] =	ssyncadd.s32 $0xFFFFF000  }
0x115: {  	_ =	swait.ge [sflag:s9], $0x80  }
0x116: {  	[sflag:s9] =	ssyncset.done $0x0  }
0x117: {  	[sflag:s9] =	ssyncadd.s32 $0xFFFFFF80  }
0x118: {  	_ =	swait.ge [sflag:s9], $0x80  }
0x119: {  	[sflag:s9] =	ssyncset.done $0x0  }
0x11a: {  	[sflag:s9] =	ssyncadd.s32 $0xFFFFFF80  }
0x11b: {  	_ =	swait.ge [sflag:s9], $0x1000  }
0x11c: {  	[sflag:s9] =	ssyncset.done $0x0  }
0x11d: {  	[sflag:s9] =	ssyncadd.s32 $0xFFFFF000  }
0x11e: {  	_ =	swait.ge [sflag:s9], $0x1000  }
0x11f: {  	[sflag:s9] =	ssyncset.done $0x0  }
0x120: {  	[sflag:s9] =	ssyncadd.s32 $0xFFFFF000  }
0x121: {  	_ =	swait.ge [sflag:s9], $0x80  }
0x122: {  	[sflag:s9] =	ssyncset.done $0x0  }
0x123: {  	[sflag:s9] =	ssyncadd.s32 $0xFFFFFF80  }
0x124: {  	_ =	swait.ge [sflag:s9], $0x80  }
0x125: {  	[sflag:s9] =	ssyncset.done $0x0  }
0x126: {  	[sflag:s9] =	ssyncadd.s32 $0xFFFFFF80  }
0x127: {  	_ =	swait.ge [sflag:s9], $0x1000  }
0x128: {  	[sflag:s9] =	ssyncset.done $0x0  }
0x129: {  	[sflag:s9] =	ssyncadd.s32 $0xFFFFF000  }
0x12a: {  	_ =	swait.ge [sflag:s9], $0x1000  }
0x12b: {  	[sflag:s9] =	ssyncset.done $0x0  }
0x12c: {  	[sflag:s9] =	ssyncadd.s32 $0xFFFFF000  }
0x12d: {  	_ =	swait.ge [sflag:s9], $0x80  }
0x12e: {  	[sflag:s9] =	ssyncset.done $0x0  }
0x12f: {  	[sflag:s9] =	ssyncadd.s32 $0xFFFFFF80  }
0x130: {  	_ =	swait.ge [sflag:s9], $0x80  }
0x131: {  	[sflag:s9] =	ssyncset.done $0x0  }
0x132: {  	[sflag:s9] =	ssyncadd.s32 $0xFFFFFF80  }
0x133: {  	_ =	swait.ge [sflag:s9], $0x1000  }
0x134: {  	[sflag:s9] =	ssyncset.done $0x0  }
0x135: {  	[sflag:s9] =	ssyncadd.s32 $0xFFFFF000  }
0x136: {  	_ =	swait.ge [sflag:s9], $0x1000  }
0x137: {  	[sflag:s9] =	ssyncset.done $0x0  }
0x138: {  	[sflag:s9] =	ssyncadd.s32 $0xFFFFF000  }
0x139: {  	_ =	swait.ge [sflag:s9], $0x80  }
0x13a: {  	[sflag:s9] =	ssyncset.done $0x0  }
0x13b: {  	[sflag:s9] =	ssyncadd.s32 $0xFFFFFF80  }
0x13c: {  	_ =	swait.ge [sflag:s9], $0x80  }
0x13d: {  	[sflag:s9] =	ssyncset.done $0x0  }
0x13e: {  	s26 =	rddreg [dreg:$0x7];
	[sflag:s9] =	ssyncadd.s32 $0xFFFFFF80  }
0x13f: {  	[hbm4b:s26+s2] =	stream.linear.scatter [tilespmem:s7], [sflag:$0x2], $0x4000, $0x38;
	[tilespmem:$0x8800] =	vst v63  }
0x140: {  	_ =	swait.ge [sflag:s3], $0x4000  }
0x141: {  	[sflag:s3] =	ssyncset.done $0x0  }
0x142: {  	s28 =	rddreg [dreg:$0x8];
	[sflag:s3] =	ssyncadd.s32 $0xFFFFC000  }
0x143: {  	[hbm4b:s28+s2] =	stream.linear.scatter [tilespmem:s6], [sflag:$0x2], $0x4000, $0x38;
	[tilespmem:$0x8800] =	vst v63  }
0x144: {  	_ =	swait.ge [sflag:s3], $0x4000  }
0x145: {  	[sflag:s3] =	ssyncset.done $0x0  }
0x146: {  	s29 =	rddreg [dreg:$0x9];
	[sflag:s3] =	ssyncadd.s32 $0xFFFFC000  }
0x147: {  	[hbm4b:s29+s2] =	stream.linear.scatter [tilespmem:s5], [sflag:$0x2], $0x200, $0x38;
	[tilespmem:$0x8800] =	vst v63  }
0x148: {  	_ =	swait.ge [sflag:s3], $0x200  }
0x149: {  	[sflag:s3] =	ssyncset.done $0x0  }
0x14a: {  	s30 =	rddreg [dreg:$0xa];
	[sflag:s3] =	ssyncadd.s32 $0xFFFFFE00  }
0x14b: {  	[hbm4b:s30+s2] =	stream.linear.scatter [tilespmem:s4], [sflag:$0x2], $0x200, $0x38;
	[tilespmem:$0x8800] =	vst v63  }
0x14c: {  	_ =	swait.ge [sflag:s3], $0x200  }
0x14d: {  	[sflag:s3] =	ssyncset.done $0x0  }
0x14e: {  	[sflag:s3] =	ssyncadd.s32 $0xFFFFFE00  }
0x14f: {  	_ =	sfence.sel $0x180000  }
0x150: {  	[bflag:$0x0] =	sbarrier.arrive $0xFFFF  }
0x151: {  	_ =	strace $0x90000047  }
0x152: {  	s31 =	stileid.u32;
	[bflag:$0x2] =	sbarrier.arrive $0xFFFF  }
0x153: {  	p0 =	sne.s32 s31, $0x0;
	s0 =	rddreg [dreg:$0x4]  }
0x154: {  	s0 =	sadd.s32 @!p0 $0x100000, s0  }
0x155: {  	[sflag:s0] =	ssyncadd.tile.s32 @!p0 $0x1;
	_ =	shalt  }
.Lfunc_end2:
_tile_overlayer_lowered:
.L_overlay_start_2:
0x156: {  	(tag) =	ssettag $0x2  }
0x157: {  	s0 =	rddreg [dreg:$0x0];
	s2 =	stileid.u32  }
0x158: {  	s1 =	rddreg [dreg:$0x1];
	p0 =	sne.s32 s2, $0x0  }
0x159: {  	s3 =	rddreg [dreg:$0x2];
	[bflag:$0x3] =	sbarrier.arrive $0xFFFF;
	s2 =	simm.s32 @!p0 $0x1C02  }
0x15a: {  	[timem:s3], [sflag:s2] =	dma.local @!p0 [hbm:s0], s1  }
0x15b: {  	s0 =	simm.s32 @!p0 $0x2  }
0x15c: {  	_ =	swait.ge @!p0 [sflag:s0], s1  }
0x15d: {  	s1 =	ssub.s32 @!p0 $0x0, s1;
	[sflag:s0] =	ssyncset.done @!p0 $0x0  }
0x15e: {  	[sflag:s0] =	ssyncadd.s32 @!p0 s1  }
0x15f: {  	[bflag:$0x3] =	sbarrier.arrive $0xFFFF  }
0x160: {  	_ =	shalt  }

</sc_bundles>
